<compile_context>
chip_gen: v7x
topology: tpu7x:2x2x1
jax: 0.10.2.dev20260603
libtpu: 0.0.44.dev20260713+nightly
codegen_flags: <defaults>
</compile_context>

<pallas_src>
import functools

import jax
import jax.numpy as jnp
from jax.experimental import pallas as pl

F32 = jnp.float32
HI = jax.lax.Precision.HIGHEST


def _dot(a, b):
    return jnp.dot(a, b, preferred_element_type=F32)


def _xw3(main_ref, halo_ref, wo, relu):
    xp = jnp.concatenate([main_ref[0], halo_ref[0]], axis=0)
    if relu:
        xp = jnp.maximum(xp, 0.0)
    xw = jnp.concatenate([xp[:, u:u + wo, :] for u in range(3)], axis=-1)
    return xp, xw


def _in_specs_halo(th, wp, c):
    hb = th // 2
    return [
        pl.BlockSpec((1, th, wp, c), lambda n, i: (n, i, 0, 0)),
        pl.BlockSpec((1, 2, wp, c),
                     lambda n, i: (n, (i + 1) * hb, 0, 0)),
    ]



def _conv3_body(xm_ref, xh_ref, w_ref, b_ref, o_ref, *, th, Wo, Co,
                pre_relu, post_relu):
    _, xw = _xw3(xm_ref, xh_ref, Wo, pre_relu)
    acc = None
    for t in range(3):
        xs = xw[t:t + th].reshape(th * Wo, xw.shape[-1])
        part = _dot(xs, w_ref[t])
        acc = part if acc is None else acc + part
    acc = acc + b_ref[...]
    if post_relu:
        acc = jnp.maximum(acc, 0.0)
    o_ref[0] = acc.reshape(th, Wo, Co)


def _conv3(x, wt, b, th, *, pre_relu=False, post_relu=False):
    n, hp, wp, ci = x.shape
    h, wo = hp - 2, wp - 2
    co = wt.shape[-1]
    body = functools.partial(_conv3_body, th=th, Wo=wo, Co=co,
                             pre_relu=pre_relu, post_relu=post_relu)
    return pl.pallas_call(
        body,
        grid=(n, h // th),
        in_specs=_in_specs_halo(th, wp, ci) + [
            pl.BlockSpec((3, 3 * ci, co), lambda n, i: (0, 0, 0)),
            pl.BlockSpec((1, co), lambda n, i: (0, 0)),
        ],
        out_specs=pl.BlockSpec((1, th, wo, co), lambda n, i: (n, i, 0, 0)),
        out_shape=jax.ShapeDtypeStruct((n, h, wo, co), F32),
    )(x, x, wt, b.reshape(1, co))



def _resblock_body(xm_ref, xh_ref, w1_ref, b1_ref, w2_ref, b2_ref, o_ref,
                   *, th, W, C):
    xp, xw = _xw3(xm_ref, xh_ref, W, True)
    acc = None
    for t in range(3):
        xs = xw[t:t + th].reshape(th * W, 3 * C)
        part = _dot(xs, w1_ref[t])
        acc = part if acc is None else acc + part
    h = jnp.maximum(acc + b1_ref[...], 0.0)
    h2 = _dot(h, w2_ref[...]) + b2_ref[...]
    xc = xm_ref[0][1:, 1:1 + W, :]
    xc = jnp.concatenate([xc, xh_ref[0, 0:1, 1:1 + W, :]], axis=0)
    o_ref[0] = (xc.reshape(th * W, C) + h2).reshape(th, W, C)


def _resblock(x, w1, b1, w2, b2, th):
    n, hp, wp, c = x.shape
    h, wo = hp - 2, wp - 2
    r = w1.shape[-1]
    body = functools.partial(_resblock_body, th=th, W=wo, C=c)
    return pl.pallas_call(
        body,
        grid=(n, h // th),
        in_specs=_in_specs_halo(th, wp, c) + [
            pl.BlockSpec((3, 3 * c, r), lambda n, i: (0, 0, 0)),
            pl.BlockSpec((1, r), lambda n, i: (0, 0)),
            pl.BlockSpec((r, c), lambda n, i: (0, 0)),
            pl.BlockSpec((1, c), lambda n, i: (0, 0)),
        ],
        out_specs=pl.BlockSpec((1, th, wo, c), lambda n, i: (n, i, 0, 0)),
        out_shape=jax.ShapeDtypeStruct((n, h, wo, c), F32),
    )(x, x, w1, b1.reshape(1, r), w2, b2.reshape(1, c))



def _vq_body(q_ref, sc_ref, cols_ref, et_hi_ref, et_lo_ref,
             quant_ref, diff_ref, *, R, K, inv_n):
    i = pl.program_id(0)
    q = q_ref[...]
    rows = jnp.sum(q * q, axis=1, keepdims=True)
    dist = rows - 2.0 * sc_ref[...] + cols_ref[...]
    ind = jnp.argmin(dist, axis=1).reshape(R, 1)
    onehot = (ind == jax.lax.broadcasted_iota(jnp.int32, (R, K), 1)
              ).astype(F32)
    quant = _dot(onehot, et_hi_ref[...]) + _dot(onehot, et_lo_ref[...])
    quant_ref[...] = quant
    part = (jnp.sum((quant - q) ** 2) * inv_n).reshape(1, 1)

    @pl.when(i == 0)
    def _():
        diff_ref[...] = part

    @pl.when(i != 0)
    def _():
        diff_ref[...] += part


def _vq(q_flat, sc, cols, embed_t, n_blocks):
    rows, e = q_flat.shape
    k = sc.shape[1]
    r = rows // n_blocks
    et_hi = jax.lax.bitcast_convert_type(
        jax.lax.bitcast_convert_type(embed_t, jnp.int32)
        & jnp.int32(-65536), F32)
    et_lo = embed_t - et_hi
    body = functools.partial(_vq_body, R=r, K=k, inv_n=1.0 / (rows * e))
    return pl.pallas_call(
        body,
        grid=(n_blocks,),
        in_specs=[
            pl.BlockSpec((r, e), lambda i: (i, 0)),
            pl.BlockSpec((r, k), lambda i: (i, 0)),
            pl.BlockSpec((1, k), lambda i: (0, 0)),
            pl.BlockSpec((k, e), lambda i: (0, 0)),
            pl.BlockSpec((k, e), lambda i: (0, 0)),
        ],
        out_specs=[
            pl.BlockSpec((r, e), lambda i: (i, 0)),
            pl.BlockSpec((1, 1), lambda i: (0, 0)),
        ],
        out_shape=[
            jax.ShapeDtypeStruct((rows, e), F32),
            jax.ShapeDtypeStruct((1, 1), F32),
        ],
    )(q_flat, sc, cols, et_hi, et_lo)



def _dtrans_body(xm_ref, xh_ref, w_ref, b_ref, o_ref, *, th, W, Co,
                 pre_relu, post_relu):
    _, xw = _xw3(xm_ref, xh_ref, W, pre_relu)
    xs = [xw[oy:oy + th].reshape(th * W, xw.shape[-1]) for oy in range(3)]
    outs = []
    for qy in range(2):
        for qx in range(2):
            acc = None
            for ty in range(2):
                part = _dot(xs[qy + ty], w_ref[qy, qx, ty])
                acc = part if acc is None else acc + part
            acc = acc + b_ref[...]
            if post_relu:
                acc = jnp.maximum(acc, 0.0)
            outs.append(acc)
    o_ref[0] = jnp.concatenate(outs, axis=1).reshape(th, W, 4 * Co)


def _dtrans(x, w, b, th, *, pre_relu, post_relu):
    n, hp, wp, ci = x.shape
    h, wo = hp - 2, wp - 2
    co = w.shape[-1]
    wq = jnp.zeros((2, 2, 2, 3 * ci, co), F32)
    for qy in range(2):
        for qx in range(2):
            for ty in range(2):
                for tx in range(2):
                    ky, kx = 3 - qy - 2 * ty, 3 - qx - 2 * tx
                    ox = qx + tx
                    wq = wq.at[qy, qx, ty,
                               ox * ci:(ox + 1) * ci].set(w[ky, kx])
    body = functools.partial(_dtrans_body, th=th, W=wo, Co=co,
                             pre_relu=pre_relu, post_relu=post_relu)
    return pl.pallas_call(
        body,
        grid=(n, h // th),
        in_specs=_in_specs_halo(th, wp, ci) + [
            pl.BlockSpec((2, 2, 2, 3 * ci, co),
                         lambda n, i: (0, 0, 0, 0, 0)),
            pl.BlockSpec((1, co), lambda n, i: (0, 0)),
        ],
        out_specs=pl.BlockSpec((1, th, wo, 4 * co),
                               lambda n, i: (n, i, 0, 0)),
        out_shape=jax.ShapeDtypeStruct((n, h, wo, 4 * co), F32),
    )(x, x, wq, b.reshape(1, co))



def _pad1(x):
    return jnp.pad(x, ((0, 0), (1, 1), (1, 1), (0, 0)))


def _d2s(x):
    n, h, w, c4 = x.shape
    c = c4 // 4
    return (x.reshape(n, h, w, 2, 2, c).transpose(0, 1, 3, 2, 4, 5)
            .reshape(n, 2 * h, 2 * w, c))


def _w_conv3(w):
    k = jnp.transpose(w, (2, 3, 1, 0))
    return k.reshape(3, 3 * k.shape[2], k.shape[3])


def _w_dtrans(w):
    return jnp.transpose(w, (2, 3, 0, 1))



def _conv_nchw(x, w, b, stride, pad):
    out = jax.lax.conv_general_dilated(
        x, w, (stride, stride), [(pad, pad), (pad, pad)],
        dimension_numbers=('NCHW', 'OIHW', 'NCHW'))
    return out + b[None, :, None, None]


def _res_block_nchw(x, w1, b1, w2, b2):
    out = jax.nn.relu(x)
    out = _conv_nchw(out, w1, b1, 1, 1)
    out = jax.nn.relu(out)
    out = _conv_nchw(out, w2, b2, 1, 0)
    return x + out



def kernel(input, e1w, e1b, e2w, e2b, e3w, e3b,
           er1w1, er1b1, er1w2, er1b2, er2w1, er2b1, er2w2, er2b2,
           qw, qb, embed, d1w, d1b,
           dr1w1, dr1b1, dr1w2, dr1b2, dr2w1, dr2b1, dr2w2, dr2b2,
           dt1w, dt1b, dt2w, dt2b):
    n = input.shape[0]

    h = jax.nn.relu(_conv_nchw(input, e1w, e1b, 2, 1))
    h = jax.nn.relu(_conv_nchw(h, e2w, e2b, 2, 1))
    h = _conv_nchw(h, e3w, e3b, 1, 1)
    h = _res_block_nchw(h, er1w1, er1b1, er1w2, er1b2)
    h = _res_block_nchw(h, er2w1, er2b1, er2w2, er2b2)
    h = jax.nn.relu(h)
    q = _conv_nchw(h, qw, qb, 1, 0)
    q = jnp.transpose(q, (0, 2, 3, 1))

    e = embed.shape[0]
    q_flat = q.reshape(-1, e)
    cols = (embed ** 2).sum(0)[None]
    sc = q_flat @ embed
    quant_flat, diff = _vq(q_flat, sc, cols, embed.T, 16)
    quant = quant_flat.reshape(n, 96, 96, e)

    d = _conv3(_pad1(quant), _w_conv3(d1w), d1b, 48)
    d = _resblock(_pad1(d), _w_conv3(dr1w1), dr1b1,
                  dr1w2[:, :, 0, 0].T, dr1b2, 48)
    d = _resblock(_pad1(d), _w_conv3(dr2w1), dr2b1,
                  dr2w2[:, :, 0, 0].T, dr2b2, 48)
    d = _dtrans(_pad1(d), _w_dtrans(dt1w), dt1b, 32,
                pre_relu=True, post_relu=True)
    d = _d2s(d)
    d = _dtrans(_pad1(d), _w_dtrans(dt2w), dt2b, 32,
                pre_relu=False, post_relu=False)
    d = _d2s(d)
    d = jnp.transpose(d, (0, 3, 1, 2))
    return (d, diff.reshape(1))

# --- scband reference (transcript-rebuilt; emitter-appended) ---
"""Pipeline reference for scband-vqvae-1-26388279066826 (READ-ONLY COPY).

The authoritative reference and input builder live on the scoring server;
editing this copy changes nothing except your own understanding.
"""

import jax, jax.numpy as jnp
import numpy as np

def conv2d(x, w, b, stride=1, pad=0):
    out = jax.lax.conv_general_dilated(x, w, (stride, stride), [(pad, pad), (pad, pad)], dimension_numbers=('NCHW', 'OIHW', 'NCHW'))
    return out + b[None, :, None, None]

def conv_transpose2d(x, w, b, stride=2, pad=1):
    k = w.shape[2]
    w2 = jnp.transpose(jnp.flip(w, (2, 3)), (1, 0, 2, 3))
    out = jax.lax.conv_general_dilated(x, w2, (1, 1), [(k - 1 - pad, k - 1 - pad), (k - 1 - pad, k - 1 - pad)], lhs_dilation=(stride, stride), dimension_numbers=('NCHW', 'OIHW', 'NCHW'))
    return out + b[None, :, None, None]

def res_block(x, w1, b1, w2, b2):
    out = jax.nn.relu(x)
    out = conv2d(out, w1, b1, 1, 1)
    out = jax.nn.relu(out)
    out = conv2d(out, w2, b2, 1, 0)
    return x + out

def forward(p):
    x = p['input']
    h = jax.nn.relu(conv2d(x, p['e1w'], p['e1b'], 2, 1))
    h = jax.nn.relu(conv2d(h, p['e2w'], p['e2b'], 2, 1))
    h = conv2d(h, p['e3w'], p['e3b'], 1, 1)
    h = res_block(h, p['er1w1'], p['er1b1'], p['er1w2'], p['er1b2'])
    h = res_block(h, p['er2w1'], p['er2b1'], p['er2w2'], p['er2b2'])
    h = jax.nn.relu(h)
    q = conv2d(h, p['qw'], p['qb'], 1, 0)
    q = jnp.transpose(q, (0, 2, 3, 1))
    embed = p['embed']
    flat = q.reshape(-1, embed.shape[0])
    dist = (flat ** 2).sum(1, keepdims=True) - 2.0 * (flat @ embed) + (embed ** 2).sum(0, keepdims=True)
    ind = jnp.argmin(dist, axis=1)
    ind = ind.reshape(q.shape[:-1])
    quant = jnp.take(embed.T, ind, axis=0)
    diff = jnp.mean((jax.lax.stop_gradient(quant) - q) ** 2)
    quant = q + jax.lax.stop_gradient(quant - q)
    quant = jnp.transpose(quant, (0, 3, 1, 2))
    diff = diff[None]
    d = conv2d(quant, p['d1w'], p['d1b'], 1, 1)
    d = res_block(d, p['dr1w1'], p['dr1b1'], p['dr1w2'], p['dr1b2'])
    d = res_block(d, p['dr2w1'], p['dr2b1'], p['dr2w2'], p['dr2b2'])
    d = jax.nn.relu(d)
    d = jax.nn.relu(conv_transpose2d(d, p['dt1w'], p['dt1b'], 2, 1))
    d = conv_transpose2d(d, p['dt2w'], p['dt2b'], 2, 1)
    return (d, diff)

def setup_inputs(seed=0):
    key = jax.random.key(seed)
    ks = iter(jax.random.split(key, 64))
    def rn(shape, scale=0.05):
        return jax.random.normal(next(ks), shape, dtype=jnp.float32) * scale
    C, E, K, R = 128, 64, 512, 64
    inp = {}
    inp['input'] = jax.random.normal(next(ks), (4, 3, 384, 384), dtype=jnp.float32)
    inp['e1w'] = rn((C // 2, 3, 4, 4)); inp['e1b'] = jnp.zeros((C // 2,), jnp.float32)
    inp['e2w'] = rn((C, C // 2, 4, 4)); inp['e2b'] = jnp.zeros((C,), jnp.float32)
    inp['e3w'] = rn((C, C, 3, 3)); inp['e3b'] = jnp.zeros((C,), jnp.float32)
    for i in (1, 2):
        inp['er%dw1' % i] = rn((R, C, 3, 3)); inp['er%db1' % i] = jnp.zeros((R,), jnp.float32)
        inp['er%dw2' % i] = rn((C, R, 1, 1)); inp['er%db2' % i] = jnp.zeros((C,), jnp.float32)
    inp['qw'] = rn((E, C, 1, 1)); inp['qb'] = jnp.zeros((E,), jnp.float32)
    inp['embed'] = jax.random.normal(next(ks), (E, K), dtype=jnp.float32)
    inp['d1w'] = rn((C, E, 3, 3)); inp['d1b'] = jnp.zeros((C,), jnp.float32)
    for i in (1, 2):
        inp['dr%dw1' % i] = rn((R, C, 3, 3)); inp['dr%db1' % i] = jnp.zeros((R,), jnp.float32)
        inp['dr%dw2' % i] = rn((C, R, 1, 1)); inp['dr%db2' % i] = jnp.zeros((C,), jnp.float32)
    inp['dt1w'] = rn((C, C // 2, 4, 4)); inp['dt1b'] = jnp.zeros((C // 2,), jnp.float32)
    inp['dt2w'] = rn((C // 2, 3, 4, 4)); inp['dt2b'] = jnp.zeros((3,), jnp.float32)
    return inp

def reference(input, e1w, e1b, e2w, e2b, e3w, e3b,
              er1w1, er1b1, er1w2, er1b2, er2w1, er2b1, er2w2, er2b2,
              qw, qb, embed, d1w, d1b,
              dr1w1, dr1b1, dr1w2, dr1b2, dr2w1, dr2b1, dr2w2, dr2b2,
              dt1w, dt1b, dt2w, dt2b):
    p = {
        'input': input,
        'e1w': e1w, 'e1b': e1b,
        'e2w': e2w, 'e2b': e2b,
        'e3w': e3w, 'e3b': e3b,
        'er1w1': er1w1, 'er1b1': er1b1, 'er1w2': er1w2, 'er1b2': er1b2,
        'er2w1': er2w1, 'er2b1': er2b1, 'er2w2': er2w2, 'er2b2': er2b2,
        'qw': qw, 'qb': qb,
        'embed': embed,
        'd1w': d1w, 'd1b': d1b,
        'dr1w1': dr1w1, 'dr1b1': dr1b1, 'dr1w2': dr1w2, 'dr1b2': dr1b2,
        'dr2w1': dr2w1, 'dr2b1': dr2b1, 'dr2w2': dr2w2, 'dr2b2': dr2b2,
        'dt1w': dt1w, 'dt1b': dt1b,
        'dt2w': dt2w, 'dt2b': dt2b,
    }
    return forward(p)

if __name__ == "__main__":
    import jax
    _d = setup_inputs()
    print(jax.jit(kernel)(*tuple(_d.values())))

</pallas_src>

<mosaic_0001>
module attributes {stable_mosaic.version = 14 : i64} {
  func.func @_vq_body(%arg0: i32, %arg1: memref<2304x64xf32, #tpu.memory_space<vmem>>, %arg2: memref<2304x512xf32, #tpu.memory_space<vmem>>, %arg3: memref<1x512xf32, #tpu.memory_space<vmem>>, %arg4: memref<512x64xf32, #tpu.memory_space<vmem>>, %arg5: memref<512x64xf32, #tpu.memory_space<vmem>>, %arg6: memref<2304x64xf32, #tpu.memory_space<vmem>>, %arg7: memref<1x1xf32, #tpu.memory_space<vmem>>) attributes {dimension_semantics = [#tpu.dimension_semantics<arbitrary>], iteration_bounds = array<i64: 16>, scalar_prefetch = 0 : i64, scratch_operands = 0 : i64, tpu.core_type = #tpu.core_type<tc>, window_params = [{transform_indices = @transform_0, window_bounds = array<i64: 2304, 64>}, {transform_indices = @transform_1, window_bounds = array<i64: 2304, 512>}, {pipeline_mode = #tpu.pipeline_mode<synchronous>, transform_indices = @transform_2, window_bounds = array<i64: 1, 512>}, {pipeline_mode = #tpu.pipeline_mode<synchronous>, transform_indices = @transform_3, window_bounds = array<i64: 512, 64>}, {pipeline_mode = #tpu.pipeline_mode<synchronous>, transform_indices = @transform_4, window_bounds = array<i64: 512, 64>}, {transform_indices = @transform_5, window_bounds = array<i64: 2304, 64>}, {pipeline_mode = #tpu.pipeline_mode<synchronous>, transform_indices = @transform_6, window_bounds = array<i64: 1, 1>}]} {
    %get3A = arith.constant 0 : index
    %get3A_0 = arith.constant 0 : index
    %get3A_1 = vector.load %arg1[%get3A, %get3A_0] : memref<2304x64xf32, #tpu.memory_space<vmem>>, vector<2304x64xf32>
    %mul3A = arith.mulf %get3A_1, %get3A_1 : vector<2304x64xf32>
    %reduce_sum3A = arith.constant dense<0.000000e+00> : vector<2304xf32>
    %reduce_sum3A_2 = vector.multi_reduction <add>, %mul3A, %reduce_sum3A [1] : vector<2304x64xf32> to vector<2304xf32>
    %broadcast_in_dim3A = vector.shape_cast %reduce_sum3A_2 : vector<2304xf32> to vector<2304x1xf32>
    %get3A_3 = arith.constant 0 : index
    %get3A_4 = arith.constant 0 : index
    %get3A_5 = vector.load %arg2[%get3A_3, %get3A_4] : memref<2304x512xf32, #tpu.memory_space<vmem>>, vector<2304x512xf32>
    %mul3A_6 = arith.constant 2.000000e+00 : f32
    %mul3A_7 = vector.broadcast %mul3A_6 : f32 to vector<2304x512xf32>
    %mul3A_8 = arith.mulf %mul3A_7, %get3A_5 : vector<2304x512xf32>
    %sub3A = vector.broadcast %broadcast_in_dim3A : vector<2304x1xf32> to vector<2304x512xf32>
    %sub3A_9 = arith.subf %sub3A, %mul3A_8 : vector<2304x512xf32>
    %get3A_10 = arith.constant 0 : index
    %get3A_11 = arith.constant 0 : index
    %get3A_12 = vector.load %arg3[%get3A_10, %get3A_11] : memref<1x512xf32, #tpu.memory_space<vmem>>, vector<1x512xf32>
    %add3A = vector.broadcast %get3A_12 : vector<1x512xf32> to vector<2304x512xf32>
    %add3A_13 = arith.addf %sub3A_9, %add3A : vector<2304x512xf32>
    %argmin3A = tpu.reduce_index %add3A_13 {axis = 1 : i32, kind = #tpu.reduction_kind<arg_min>} : vector<2304x512xf32> -> vector<2304xi32>
    %reshape3A = vector.shape_cast %argmin3A : vector<2304xi32> to vector<2304x1xi32>
    %iota3A = tpu.iota {dimensions = array<i32: 1>} : vector<2304x512xi32>
    %eq3A = vector.broadcast %reshape3A : vector<2304x1xi32> to vector<2304x512xi32>
    %eq3A_14 = arith.cmpi eq, %eq3A, %iota3A : vector<2304x512xi32>
    %convert_element_type3A = arith.extui %eq3A_14 : vector<2304x512xi1> to vector<2304x512xi32>
    %convert_element_type3A_15 = arith.sitofp %convert_element_type3A : vector<2304x512xi32> to vector<2304x512xf32>
    %get3A_16 = arith.constant 0 : index
    %get3A_17 = arith.constant 0 : index
    %get3A_18 = vector.load %arg4[%get3A_16, %get3A_17] : memref<512x64xf32, #tpu.memory_space<vmem>>, vector<512x64xf32>
    %dot_general3A = arith.constant dense<0.000000e+00> : vector<2304x64xf32>
    %dot_general3A_19 = tpu.matmul %convert_element_type3A_15, %get3A_18, %dot_general3A {dimension_numbers = #tpu.dot_dimension_numbers<[1], [0], [0], [1], [0, 0, 1, 1], [], []>, transpose_lhs_hint = false} : vector<2304x512xf32>, vector<512x64xf32>, vector<2304x64xf32> -> vector<2304x64xf32>
    %get3A_20 = arith.constant 0 : index
    %get3A_21 = arith.constant 0 : index
    %get3A_22 = vector.load %arg5[%get3A_20, %get3A_21] : memref<512x64xf32, #tpu.memory_space<vmem>>, vector<512x64xf32>
    %dot_general3A_23 = arith.constant dense<0.000000e+00> : vector<2304x64xf32>
    %dot_general3A_24 = tpu.matmul %convert_element_type3A_15, %get3A_22, %dot_general3A_23 {dimension_numbers = #tpu.dot_dimension_numbers<[1], [0], [0], [1], [0, 0, 1, 1], [], []>, transpose_lhs_hint = false} : vector<2304x512xf32>, vector<512x64xf32>, vector<2304x64xf32> -> vector<2304x64xf32>
    %add3A_25 = arith.addf %dot_general3A_19, %dot_general3A_24 : vector<2304x64xf32>
    %swap3A = arith.constant 0 : index
    %swap3A_26 = arith.constant 0 : index
    %swap3A_27 = vector.load %arg6[%swap3A, %swap3A_26] : memref<2304x64xf32, #tpu.memory_space<vmem>>, vector<2304x64xf32>
    tpu.vector_store %arg6[%swap3A, %swap3A_26], %add3A_25 {strides = array<i32>} : memref<2304x64xf32, #tpu.memory_space<vmem>>, vector<2304x64xf32>,
    %sub3A_28 = arith.subf %add3A_25, %get3A_1 : vector<2304x64xf32>
    %integer_pow3A = arith.mulf %sub3A_28, %sub3A_28 : vector<2304x64xf32>
    %reduce_sum3A_29 = vector.shape_cast %integer_pow3A : vector<2304x64xf32> to vector<1x2304x64xf32>
    %reduce_sum3A_30 = arith.constant dense<0.000000e+00> : vector<1xf32>
    %reduce_sum3A_31 = vector.multi_reduction <add>, %reduce_sum3A_29, %reduce_sum3A_30 [1, 2] : vector<1x2304x64xf32> to vector<1xf32>
    %reduce_sum3A_32 = vector.shape_cast %reduce_sum3A_31 : vector<1xf32> to vector<1x1x1xf32>
    %reduce_sum3A_33 = vector.extract %reduce_sum3A_32[0, 0, 0] : f32 from vector<1x1x1xf32>
    %mul3A_34 = arith.constant 4.23855255E-7 : f32
    %mul3A_35 = arith.mulf %reduce_sum3A_33, %mul3A_34 : f32
    %reshape3A_36 = vector.broadcast %mul3A_35 : f32 to vector<1x1xf32>
    %eq3A_37 = arith.constant 0 : i32
    %eq3A_38 = arith.cmpi eq, %arg0, %eq3A_37 : i32
    %convert_element_type3A_39 = arith.extui %eq3A_38 : i1 to i32
    %cond3A = arith.constant 0 : i32
    %cond3A_40 = arith.cmpi ne, %convert_element_type3A_39, %cond3A : i32
    scf.if %cond3A_40 {
      %swap3A_45 = arith.constant 0 : index
      %swap3A_46 = arith.constant 0 : index
      %swap3A_47 = vector.load %arg7[%swap3A_45, %swap3A_46] : memref<1x1xf32, #tpu.memory_space<vmem>>, vector<1x1xf32>
      tpu.vector_store %arg7[%swap3A_45, %swap3A_46], %reshape3A_36 {strides = array<i32>} : memref<1x1xf32, #tpu.memory_space<vmem>>, vector<1x1xf32>,
    } else {
    }
    %ne3A = arith.constant 0 : i32
    %ne3A_41 = arith.cmpi ne, %arg0, %ne3A : i32
    %convert_element_type3A_42 = arith.extui %ne3A_41 : i1 to i32
    %cond3A_43 = arith.constant 0 : i32
    %cond3A_44 = arith.cmpi ne, %convert_element_type3A_42, %cond3A_43 : i32
    scf.if %cond3A_44 {
      %get3A_45 = arith.constant 0 : index
      %get3A_46 = arith.constant 0 : index
      %get3A_47 = vector.load %arg7[%get3A_45, %get3A_46] : memref<1x1xf32, #tpu.memory_space<vmem>>, vector<1x1xf32>
      %add3A_48 = arith.addf %get3A_47, %reshape3A_36 : vector<1x1xf32>
      %swap3A_49 = arith.constant 0 : index
      %swap3A_50 = arith.constant 0 : index
      %swap3A_51 = vector.load %arg7[%swap3A_49, %swap3A_50] : memref<1x1xf32, #tpu.memory_space<vmem>>, vector<1x1xf32>
      tpu.vector_store %arg7[%swap3A_49, %swap3A_50], %add3A_48 {strides = array<i32>} : memref<1x1xf32, #tpu.memory_space<vmem>>, vector<1x1xf32>,
    } else {
    }
    return
  }
  func.func @transform_0(%arg0: i32) -> (i32, i32) {
    %c0_i32 = arith.constant 0 : i32
    %c0_i32_0 = arith.constant 0 : i32
    return %arg0, %c0_i32 : i32, i32
  }
  func.func @transform_1(%arg0: i32) -> (i32, i32) {
    %c0_i32 = arith.constant 0 : i32
    %c0_i32_0 = arith.constant 0 : i32
    return %arg0, %c0_i32 : i32, i32
  }
  func.func @transform_2(%arg0: i32) -> (i32, i32) {
    %c0_i32 = arith.constant 0 : i32
    %c0_i32_0 = arith.constant 0 : i32
    %c0_i32_1 = arith.constant 0 : i32
    return %c0_i32, %c0_i32_0 : i32, i32
  }
  func.func @transform_3(%arg0: i32) -> (i32, i32) {
    %c0_i32 = arith.constant 0 : i32
    %c0_i32_0 = arith.constant 0 : i32
    %c0_i32_1 = arith.constant 0 : i32
    return %c0_i32, %c0_i32_0 : i32, i32
  }
  func.func @transform_4(%arg0: i32) -> (i32, i32) {
    %c0_i32 = arith.constant 0 : i32
    %c0_i32_0 = arith.constant 0 : i32
    %c0_i32_1 = arith.constant 0 : i32
    return %c0_i32, %c0_i32_0 : i32, i32
  }
  func.func @transform_5(%arg0: i32) -> (i32, i32) {
    %c0_i32 = arith.constant 0 : i32
    %c0_i32_0 = arith.constant 0 : i32
    return %arg0, %c0_i32 : i32, i32
  }
  func.func @transform_6(%arg0: i32) -> (i32, i32) {
    %c0_i32 = arith.constant 0 : i32
    %c0_i32_0 = arith.constant 0 : i32
    %c0_i32_1 = arith.constant 0 : i32
    return %c0_i32, %c0_i32_0 : i32, i32
  }
}

module attributes {stable_mosaic.version = 14 : i64} {
  func.func @_conv3_body(%arg0: i32, %arg1: i32, %arg2: memref<1x48x98x64xf32, #tpu.memory_space<vmem>>, %arg3: memref<1x2x98x64xf32, #tpu.memory_space<vmem>>, %arg4: memref<3x192x128xf32, #tpu.memory_space<vmem>>, %arg5: memref<1x128xf32, #tpu.memory_space<vmem>>, %arg6: memref<1x48x96x128xf32, #tpu.memory_space<vmem>>) attributes {dimension_semantics = [#tpu.dimension_semantics<arbitrary>, #tpu.dimension_semantics<arbitrary>], iteration_bounds = array<i64: 4, 2>, scalar_prefetch = 0 : i64, scratch_operands = 0 : i64, tpu.core_type = #tpu.core_type<tc>, window_params = [{transform_indices = @transform_0, window_bounds = array<i64: 1, 48, 98, 64>}, {transform_indices = @transform_1, window_bounds = array<i64: 1, 2, 98, 64>}, {pipeline_mode = #tpu.pipeline_mode<synchronous>, transform_indices = @transform_2, window_bounds = array<i64: 3, 192, 128>}, {pipeline_mode = #tpu.pipeline_mode<synchronous>, transform_indices = @transform_3, window_bounds = array<i64: 1, 128>}, {transform_indices = @transform_4, window_bounds = array<i64: 1, 48, 96, 128>}]} {
    %get3A = arith.constant 0 : index
    %get3A_0 = arith.constant 0 : index
    %get3A_1 = arith.constant 0 : index
    %get3A_2 = arith.constant 0 : index
    %get3A_3 = vector.load %arg2[%get3A, %get3A_0, %get3A_1, %get3A_2] : memref<1x48x98x64xf32, #tpu.memory_space<vmem>>, vector<1x48x98x64xf32>
    %get3A_4 = vector.shape_cast %get3A_3 : vector<1x48x98x64xf32> to vector<48x98x64xf32>
    %get3A_5 = arith.constant 0 : index
    %get3A_6 = arith.constant 0 : index
    %get3A_7 = arith.constant 0 : index
    %get3A_8 = arith.constant 0 : index
    %get3A_9 = vector.load %arg3[%get3A_5, %get3A_6, %get3A_7, %get3A_8] : memref<1x2x98x64xf32, #tpu.memory_space<vmem>>, vector<1x2x98x64xf32>
    %get3A_10 = vector.shape_cast %get3A_9 : vector<1x2x98x64xf32> to vector<2x98x64xf32>
    %concatenate3A = tpu.concatenate %get3A_4, %get3A_10 in 0 : vector<48x98x64xf32>, vector<2x98x64xf32> -> vector<50x98x64xf32>
    %slice3A = vector.extract_strided_slice %concatenate3A {offsets = [0, 0, 0], sizes = [50, 96, 64], strides = [1, 1, 1]} : vector<50x98x64xf32> to vector<50x96x64xf32>
    %slice3A_11 = vector.extract_strided_slice %concatenate3A {offsets = [0, 1, 0], sizes = [50, 96, 64], strides = [1, 1, 1]} : vector<50x98x64xf32> to vector<50x96x64xf32>
    %slice3A_12 = vector.extract_strided_slice %concatenate3A {offsets = [0, 2, 0], sizes = [50, 96, 64], strides = [1, 1, 1]} : vector<50x98x64xf32> to vector<50x96x64xf32>
    %concatenate3A_13 = tpu.concatenate %slice3A, %slice3A_11, %slice3A_12 in 2 : vector<50x96x64xf32>, vector<50x96x64xf32>, vector<50x96x64xf32> -> vector<50x96x192xf32>
    %slice3A_14 = vector.extract_strided_slice %concatenate3A_13 {offsets = [0, 0, 0], sizes = [48, 96, 192], strides = [1, 1, 1]} : vector<50x96x192xf32> to vector<48x96x192xf32>
    %reshape3A = vector.shape_cast %slice3A_14 : vector<48x96x192xf32> to vector<4608x192xf32>
    %get3A_15 = arith.constant 0 : index
    %get3A_16 = arith.constant 0 : index
    %get3A_17 = arith.constant 0 : index
    %get3A_18 = vector.load %arg4[%get3A_15, %get3A_16, %get3A_17] : memref<3x192x128xf32, #tpu.memory_space<vmem>>, vector<1x192x128xf32>
    %get3A_19 = vector.shape_cast %get3A_18 : vector<1x192x128xf32> to vector<192x128xf32>
    %dot_general3A = arith.constant dense<0.000000e+00> : vector<4608x128xf32>
    %dot_general3A_20 = tpu.matmul %reshape3A, %get3A_19, %dot_general3A {dimension_numbers = #tpu.dot_dimension_numbers<[1], [0], [0], [1], [0, 0, 1, 1], [], []>, transpose_lhs_hint = false} : vector<4608x192xf32>, vector<192x128xf32>, vector<4608x128xf32> -> vector<4608x128xf32>
    %slice3A_21 = vector.extract_strided_slice %concatenate3A_13 {offsets = [1, 0, 0], sizes = [48, 96, 192], strides = [1, 1, 1]} : vector<50x96x192xf32> to vector<48x96x192xf32>
    %reshape3A_22 = vector.shape_cast %slice3A_21 : vector<48x96x192xf32> to vector<4608x192xf32>
    %get3A_23 = arith.constant 1 : index
    %get3A_24 = arith.constant 0 : index
    %get3A_25 = arith.constant 0 : index
    %get3A_26 = vector.load %arg4[%get3A_23, %get3A_24, %get3A_25] : memref<3x192x128xf32, #tpu.memory_space<vmem>>, vector<1x192x128xf32>
    %get3A_27 = vector.shape_cast %get3A_26 : vector<1x192x128xf32> to vector<192x128xf32>
    %dot_general3A_28 = arith.constant dense<0.000000e+00> : vector<4608x128xf32>
    %dot_general3A_29 = tpu.matmul %reshape3A_22, %get3A_27, %dot_general3A_28 {dimension_numbers = #tpu.dot_dimension_numbers<[1], [0], [0], [1], [0, 0, 1, 1], [], []>, transpose_lhs_hint = false} : vector<4608x192xf32>, vector<192x128xf32>, vector<4608x128xf32> -> vector<4608x128xf32>
    %add3A = arith.addf %dot_general3A_20, %dot_general3A_29 : vector<4608x128xf32>
    %slice3A_30 = vector.extract_strided_slice %concatenate3A_13 {offsets = [2, 0, 0], sizes = [48, 96, 192], strides = [1, 1, 1]} : vector<50x96x192xf32> to vector<48x96x192xf32>
    %reshape3A_31 = vector.shape_cast %slice3A_30 : vector<48x96x192xf32> to vector<4608x192xf32>
    %get3A_32 = arith.constant 2 : index
    %get3A_33 = arith.constant 0 : index
    %get3A_34 = arith.constant 0 : index
    %get3A_35 = vector.load %arg4[%get3A_32, %get3A_33, %get3A_34] : memref<3x192x128xf32, #tpu.memory_space<vmem>>, vector<1x192x128xf32>
    %get3A_36 = vector.shape_cast %get3A_35 : vector<1x192x128xf32> to vector<192x128xf32>
    %dot_general3A_37 = arith.constant dense<0.000000e+00> : vector<4608x128xf32>
    %dot_general3A_38 = tpu.matmul %reshape3A_31, %get3A_36, %dot_general3A_37 {dimension_numbers = #tpu.dot_dimension_numbers<[1], [0], [0], [1], [0, 0, 1, 1], [], []>, transpose_lhs_hint = false} : vector<4608x192xf32>, vector<192x128xf32>, vector<4608x128xf32> -> vector<4608x128xf32>
    %add3A_39 = arith.addf %add3A, %dot_general3A_38 : vector<4608x128xf32>
    %get3A_40 = arith.constant 0 : index
    %get3A_41 = arith.constant 0 : index
    %get3A_42 = vector.load %arg5[%get3A_40, %get3A_41] : memref<1x128xf32, #tpu.memory_space<vmem>>, vector<1x128xf32>
    %add3A_43 = vector.broadcast %get3A_42 : vector<1x128xf32> to vector<4608x128xf32>
    %add3A_44 = arith.addf %add3A_39, %add3A_43 : vector<4608x128xf32>
    %reshape3A_45 = vector.shape_cast %add3A_44 : vector<4608x128xf32> to vector<48x96x128xf32>
    %swap3A = arith.constant 0 : index
    %swap3A_46 = arith.constant 0 : index
    %swap3A_47 = arith.constant 0 : index
    %swap3A_48 = arith.constant 0 : index
    %swap3A_49 = vector.load %arg6[%swap3A, %swap3A_46, %swap3A_47, %swap3A_48] : memref<1x48x96x128xf32, #tpu.memory_space<vmem>>, vector<1x48x96x128xf32>
    %swap3A_50 = vector.shape_cast %swap3A_49 : vector<1x48x96x128xf32> to vector<48x96x128xf32>
    %swap3A_51 = vector.shape_cast %reshape3A_45 : vector<48x96x128xf32> to vector<1x48x96x128xf32>
    tpu.vector_store %arg6[%swap3A, %swap3A_46, %swap3A_47, %swap3A_48], %swap3A_51 {strides = array<i32>} : memref<1x48x96x128xf32, #tpu.memory_space<vmem>>, vector<1x48x96x128xf32>,
    return
  }
  func.func @transform_0(%arg0: i32, %arg1: i32) -> (i32, i32, i32, i32) {
    %c0_i32 = arith.constant 0 : i32
    %c0_i32_0 = arith.constant 0 : i32
    %c0_i32_1 = arith.constant 0 : i32
    return %arg0, %arg1, %c0_i32, %c0_i32_0 : i32, i32, i32, i32
  }
  func.func @transform_1(%arg0: i32, %arg1: i32) -> (i32, i32, i32, i32) {
    %add3A = arith.constant 1 : i32
    %add3A_0 = arith.addi %arg1, %add3A : i32
    %mul3A = arith.constant 24 : i32
    %mul3A_1 = arith.muli %add3A_0, %mul3A : i32
    %c0_i32 = arith.constant 0 : i32
    %c0_i32_2 = arith.constant 0 : i32
    %c0_i32_3 = arith.constant 0 : i32
    return %arg0, %mul3A_1, %c0_i32, %c0_i32_2 : i32, i32, i32, i32
  }
  func.func @transform_2(%arg0: i32, %arg1: i32) -> (i32, i32, i32) {
    %c0_i32 = arith.constant 0 : i32
    %c0_i32_0 = arith.constant 0 : i32
    %c0_i32_1 = arith.constant 0 : i32
    %c0_i32_2 = arith.constant 0 : i32
    return %c0_i32, %c0_i32_0, %c0_i32_1 : i32, i32, i32
  }
  func.func @transform_3(%arg0: i32, %arg1: i32) -> (i32, i32) {
    %c0_i32 = arith.constant 0 : i32
    %c0_i32_0 = arith.constant 0 : i32
    %c0_i32_1 = arith.constant 0 : i32
    return %c0_i32, %c0_i32_0 : i32, i32
  }
  func.func @transform_4(%arg0: i32, %arg1: i32) -> (i32, i32, i32, i32) {
    %c0_i32 = arith.constant 0 : i32
    %c0_i32_0 = arith.constant 0 : i32
    %c0_i32_1 = arith.constant 0 : i32
    return %arg0, %arg1, %c0_i32, %c0_i32_0 : i32, i32, i32, i32
  }
}

module attributes {stable_mosaic.version = 14 : i64} {
  func.func @_resblock_body(%arg0: i32, %arg1: i32, %arg2: memref<1x48x98x128xf32, #tpu.memory_space<vmem>>, %arg3: memref<1x2x98x128xf32, #tpu.memory_space<vmem>>, %arg4: memref<3x384x64xf32, #tpu.memory_space<vmem>>, %arg5: memref<1x64xf32, #tpu.memory_space<vmem>>, %arg6: memref<64x128xf32, #tpu.memory_space<vmem>>, %arg7: memref<1x128xf32, #tpu.memory_space<vmem>>, %arg8: memref<1x48x96x128xf32, #tpu.memory_space<vmem>>) attributes {dimension_semantics = [#tpu.dimension_semantics<arbitrary>, #tpu.dimension_semantics<arbitrary>], iteration_bounds = array<i64: 4, 2>, scalar_prefetch = 0 : i64, scratch_operands = 0 : i64, tpu.core_type = #tpu.core_type<tc>, window_params = [{transform_indices = @transform_0, window_bounds = array<i64: 1, 48, 98, 128>}, {transform_indices = @transform_1, window_bounds = array<i64: 1, 2, 98, 128>}, {pipeline_mode = #tpu.pipeline_mode<synchronous>, transform_indices = @transform_2, window_bounds = array<i64: 3, 384, 64>}, {pipeline_mode = #tpu.pipeline_mode<synchronous>, transform_indices = @transform_3, window_bounds = array<i64: 1, 64>}, {pipeline_mode = #tpu.pipeline_mode<synchronous>, transform_indices = @transform_4, window_bounds = array<i64: 64, 128>}, {pipeline_mode = #tpu.pipeline_mode<synchronous>, transform_indices = @transform_5, window_bounds = array<i64: 1, 128>}, {transform_indices = @transform_6, window_bounds = array<i64: 1, 48, 96, 128>}]} {
    %get3A = arith.constant 0 : index
    %get3A_0 = arith.constant 0 : index
    %get3A_1 = arith.constant 0 : index
    %get3A_2 = arith.constant 0 : index
    %get3A_3 = vector.load %arg2[%get3A, %get3A_0, %get3A_1, %get3A_2] : memref<1x48x98x128xf32, #tpu.memory_space<vmem>>, vector<1x48x98x128xf32>
    %get3A_4 = vector.shape_cast %get3A_3 : vector<1x48x98x128xf32> to vector<48x98x128xf32>
    %get3A_5 = arith.constant 0 : index
    %get3A_6 = arith.constant 0 : index
    %get3A_7 = arith.constant 0 : index
    %get3A_8 = arith.constant 0 : index
    %get3A_9 = vector.load %arg3[%get3A_5, %get3A_6, %get3A_7, %get3A_8] : memref<1x2x98x128xf32, #tpu.memory_space<vmem>>, vector<1x2x98x128xf32>
    %get3A_10 = vector.shape_cast %get3A_9 : vector<1x2x98x128xf32> to vector<2x98x128xf32>
    %concatenate3A = tpu.concatenate %get3A_4, %get3A_10 in 0 : vector<48x98x128xf32>, vector<2x98x128xf32> -> vector<50x98x128xf32>
    %max3A = arith.constant 0.000000e+00 : f32
    %max3A_11 = vector.broadcast %max3A : f32 to vector<50x98x128xf32>
    %max3A_12 = arith.maximumf %concatenate3A, %max3A_11 : vector<50x98x128xf32>
    %slice3A = vector.extract_strided_slice %max3A_12 {offsets = [0, 0, 0], sizes = [50, 96, 128], strides = [1, 1, 1]} : vector<50x98x128xf32> to vector<50x96x128xf32>
    %slice3A_13 = vector.extract_strided_slice %max3A_12 {offsets = [0, 1, 0], sizes = [50, 96, 128], strides = [1, 1, 1]} : vector<50x98x128xf32> to vector<50x96x128xf32>
    %slice3A_14 = vector.extract_strided_slice %max3A_12 {offsets = [0, 2, 0], sizes = [50, 96, 128], strides = [1, 1, 1]} : vector<50x98x128xf32> to vector<50x96x128xf32>
    %concatenate3A_15 = tpu.concatenate %slice3A, %slice3A_13, %slice3A_14 in 2 : vector<50x96x128xf32>, vector<50x96x128xf32>, vector<50x96x128xf32> -> vector<50x96x384xf32>
    %slice3A_16 = vector.extract_strided_slice %concatenate3A_15 {offsets = [0, 0, 0], sizes = [48, 96, 384], strides = [1, 1, 1]} : vector<50x96x384xf32> to vector<48x96x384xf32>
    %reshape3A = vector.shape_cast %slice3A_16 : vector<48x96x384xf32> to vector<4608x384xf32>
    %get3A_17 = arith.constant 0 : index
    %get3A_18 = arith.constant 0 : index
    %get3A_19 = arith.constant 0 : index
    %get3A_20 = vector.load %arg4[%get3A_17, %get3A_18, %get3A_19] : memref<3x384x64xf32, #tpu.memory_space<vmem>>, vector<1x384x64xf32>
    %get3A_21 = vector.shape_cast %get3A_20 : vector<1x384x64xf32> to vector<384x64xf32>
    %dot_general3A = arith.constant dense<0.000000e+00> : vector<4608x64xf32>
    %dot_general3A_22 = tpu.matmul %reshape3A, %get3A_21, %dot_general3A {dimension_numbers = #tpu.dot_dimension_numbers<[1], [0], [0], [1], [0, 0, 1, 1], [], []>, transpose_lhs_hint = false} : vector<4608x384xf32>, vector<384x64xf32>, vector<4608x64xf32> -> vector<4608x64xf32>
    %slice3A_23 = vector.extract_strided_slice %concatenate3A_15 {offsets = [1, 0, 0], sizes = [48, 96, 384], strides = [1, 1, 1]} : vector<50x96x384xf32> to vector<48x96x384xf32>
    %reshape3A_24 = vector.shape_cast %slice3A_23 : vector<48x96x384xf32> to vector<4608x384xf32>
    %get3A_25 = arith.constant 1 : index
    %get3A_26 = arith.constant 0 : index
    %get3A_27 = arith.constant 0 : index
    %get3A_28 = vector.load %arg4[%get3A_25, %get3A_26, %get3A_27] : memref<3x384x64xf32, #tpu.memory_space<vmem>>, vector<1x384x64xf32>
    %get3A_29 = vector.shape_cast %get3A_28 : vector<1x384x64xf32> to vector<384x64xf32>
    %dot_general3A_30 = arith.constant dense<0.000000e+00> : vector<4608x64xf32>
    %dot_general3A_31 = tpu.matmul %reshape3A_24, %get3A_29, %dot_general3A_30 {dimension_numbers = #tpu.dot_dimension_numbers<[1], [0], [0], [1], [0, 0, 1, 1], [], []>, transpose_lhs_hint = false} : vector<4608x384xf32>, vector<384x64xf32>, vector<4608x64xf32> -> vector<4608x64xf32>
    %add3A = arith.addf %dot_general3A_22, %dot_general3A_31 : vector<4608x64xf32>
    %slice3A_32 = vector.extract_strided_slice %concatenate3A_15 {offsets = [2, 0, 0], sizes = [48, 96, 384], strides = [1, 1, 1]} : vector<50x96x384xf32> to vector<48x96x384xf32>
    %reshape3A_33 = vector.shape_cast %slice3A_32 : vector<48x96x384xf32> to vector<4608x384xf32>
    %get3A_34 = arith.constant 2 : index
    %get3A_35 = arith.constant 0 : index
    %get3A_36 = arith.constant 0 : index
    %get3A_37 = vector.load %arg4[%get3A_34, %get3A_35, %get3A_36] : memref<3x384x64xf32, #tpu.memory_space<vmem>>, vector<1x384x64xf32>
    %get3A_38 = vector.shape_cast %get3A_37 : vector<1x384x64xf32> to vector<384x64xf32>
    %dot_general3A_39 = arith.constant dense<0.000000e+00> : vector<4608x64xf32>
    %dot_general3A_40 = tpu.matmul %reshape3A_33, %get3A_38, %dot_general3A_39 {dimension_numbers = #tpu.dot_dimension_numbers<[1], [0], [0], [1], [0, 0, 1, 1], [], []>, transpose_lhs_hint = false} : vector<4608x384xf32>, vector<384x64xf32>, vector<4608x64xf32> -> vector<4608x64xf32>
    %add3A_41 = arith.addf %add3A, %dot_general3A_40 : vector<4608x64xf32>
    %get3A_42 = arith.constant 0 : index
    %get3A_43 = arith.constant 0 : index
    %get3A_44 = vector.load %arg5[%get3A_42, %get3A_43] : memref<1x64xf32, #tpu.memory_space<vmem>>, vector<1x64xf32>
    %add3A_45 = vector.broadcast %get3A_44 : vector<1x64xf32> to vector<4608x64xf32>
    %add3A_46 = arith.addf %add3A_41, %add3A_45 : vector<4608x64xf32>
    %max3A_47 = arith.constant 0.000000e+00 : f32
    %max3A_48 = vector.broadcast %max3A_47 : f32 to vector<4608x64xf32>
    %max3A_49 = arith.maximumf %add3A_46, %max3A_48 : vector<4608x64xf32>
    %get3A_50 = arith.constant 0 : index
    %get3A_51 = arith.constant 0 : index
    %get3A_52 = vector.load %arg6[%get3A_50, %get3A_51] : memref<64x128xf32, #tpu.memory_space<vmem>>, vector<64x128xf32>
    %dot_general3A_53 = arith.constant dense<0.000000e+00> : vector<4608x128xf32>
    %dot_general3A_54 = tpu.matmul %max3A_49, %get3A_52, %dot_general3A_53 {dimension_numbers = #tpu.dot_dimension_numbers<[1], [0], [0], [1], [0, 0, 1, 1], [], []>, transpose_lhs_hint = false} : vector<4608x64xf32>, vector<64x128xf32>, vector<4608x128xf32> -> vector<4608x128xf32>
    %get3A_55 = arith.constant 0 : index
    %get3A_56 = arith.constant 0 : index
    %get3A_57 = vector.load %arg7[%get3A_55, %get3A_56] : memref<1x128xf32, #tpu.memory_space<vmem>>, vector<1x128xf32>
    %add3A_58 = vector.broadcast %get3A_57 : vector<1x128xf32> to vector<4608x128xf32>
    %add3A_59 = arith.addf %dot_general3A_54, %add3A_58 : vector<4608x128xf32>
    %get3A_60 = arith.constant 0 : index
    %get3A_61 = arith.constant 0 : index
    %get3A_62 = arith.constant 0 : index
    %get3A_63 = arith.constant 0 : index
    %get3A_64 = vector.load %arg2[%get3A_60, %get3A_61, %get3A_62, %get3A_63] : memref<1x48x98x128xf32, #tpu.memory_space<vmem>>, vector<1x48x98x128xf32>
    %get3A_65 = vector.shape_cast %get3A_64 : vector<1x48x98x128xf32> to vector<48x98x128xf32>
    %slice3A_66 = vector.extract_strided_slice %get3A_65 {offsets = [1, 1, 0], sizes = [47, 96, 128], strides = [1, 1, 1]} : vector<48x98x128xf32> to vector<47x96x128xf32>
    %get3A_67 = arith.constant 0 : index
    %get3A_68 = arith.constant 0 : index
    %get3A_69 = arith.constant 1 : index
    %get3A_70 = arith.constant 0 : index
    %get3A_71 = vector.load %arg3[%get3A_67, %get3A_68, %get3A_69, %get3A_70] : memref<1x2x98x128xf32, #tpu.memory_space<vmem>>, vector<1x1x96x128xf32>
    %get3A_72 = vector.shape_cast %get3A_71 : vector<1x1x96x128xf32> to vector<1x96x128xf32>
    %concatenate3A_73 = tpu.concatenate %slice3A_66, %get3A_72 in 0 : vector<47x96x128xf32>, vector<1x96x128xf32> -> vector<48x96x128xf32>
    %reshape3A_74 = vector.shape_cast %concatenate3A_73 : vector<48x96x128xf32> to vector<4608x128xf32>
    %add3A_75 = arith.addf %reshape3A_74, %add3A_59 : vector<4608x128xf32>
    %reshape3A_76 = vector.shape_cast %add3A_75 : vector<4608x128xf32> to vector<48x96x128xf32>
    %swap3A = arith.constant 0 : index
    %swap3A_77 = arith.constant 0 : index
    %swap3A_78 = arith.constant 0 : index
    %swap3A_79 = arith.constant 0 : index
    %swap3A_80 = vector.load %arg8[%swap3A, %swap3A_77, %swap3A_78, %swap3A_79] : memref<1x48x96x128xf32, #tpu.memory_space<vmem>>, vector<1x48x96x128xf32>
    %swap3A_81 = vector.shape_cast %swap3A_80 : vector<1x48x96x128xf32> to vector<48x96x128xf32>
    %swap3A_82 = vector.shape_cast %reshape3A_76 : vector<48x96x128xf32> to vector<1x48x96x128xf32>
    tpu.vector_store %arg8[%swap3A, %swap3A_77, %swap3A_78, %swap3A_79], %swap3A_82 {strides = array<i32>} : memref<1x48x96x128xf32, #tpu.memory_space<vmem>>, vector<1x48x96x128xf32>,
    return
  }
  func.func @transform_0(%arg0: i32, %arg1: i32) -> (i32, i32, i32, i32) {
    %c0_i32 = arith.constant 0 : i32
    %c0_i32_0 = arith.constant 0 : i32
    %c0_i32_1 = arith.constant 0 : i32
    return %arg0, %arg1, %c0_i32, %c0_i32_0 : i32, i32, i32, i32
  }
  func.func @transform_1(%arg0: i32, %arg1: i32) -> (i32, i32, i32, i32) {
    %add3A = arith.constant 1 : i32
    %add3A_0 = arith.addi %arg1, %add3A : i32
    %mul3A = arith.constant 24 : i32
    %mul3A_1 = arith.muli %add3A_0, %mul3A : i32
    %c0_i32 = arith.constant 0 : i32
    %c0_i32_2 = arith.constant 0 : i32
    %c0_i32_3 = arith.constant 0 : i32
    return %arg0, %mul3A_1, %c0_i32, %c0_i32_2 : i32, i32, i32, i32
  }
  func.func @transform_2(%arg0: i32, %arg1: i32) -> (i32, i32, i32) {
    %c0_i32 = arith.constant 0 : i32
    %c0_i32_0 = arith.constant 0 : i32
    %c0_i32_1 = arith.constant 0 : i32
    %c0_i32_2 = arith.constant 0 : i32
    return %c0_i32, %c0_i32_0, %c0_i32_1 : i32, i32, i32
  }
  func.func @transform_3(%arg0: i32, %arg1: i32) -> (i32, i32) {
    %c0_i32 = arith.constant 0 : i32
    %c0_i32_0 = arith.constant 0 : i32
    %c0_i32_1 = arith.constant 0 : i32
    return %c0_i32, %c0_i32_0 : i32, i32
  }
  func.func @transform_4(%arg0: i32, %arg1: i32) -> (i32, i32) {
    %c0_i32 = arith.constant 0 : i32
    %c0_i32_0 = arith.constant 0 : i32
    %c0_i32_1 = arith.constant 0 : i32
    return %c0_i32, %c0_i32_0 : i32, i32
  }
  func.func @transform_5(%arg0: i32, %arg1: i32) -> (i32, i32) {
    %c0_i32 = arith.constant 0 : i32
    %c0_i32_0 = arith.constant 0 : i32
    %c0_i32_1 = arith.constant 0 : i32
    return %c0_i32, %c0_i32_0 : i32, i32
  }
  func.func @transform_6(%arg0: i32, %arg1: i32) -> (i32, i32, i32, i32) {
    %c0_i32 = arith.constant 0 : i32
    %c0_i32_0 = arith.constant 0 : i32
    %c0_i32_1 = arith.constant 0 : i32
    return %arg0, %arg1, %c0_i32, %c0_i32_0 : i32, i32, i32, i32
  }
}

module attributes {stable_mosaic.version = 14 : i64} {
  func.func @_dtrans_body(%arg0: i32, %arg1: i32, %arg2: memref<1x32x98x128xf32, #tpu.memory_space<vmem>>, %arg3: memref<1x2x98x128xf32, #tpu.memory_space<vmem>>, %arg4: memref<2x2x2x384x64xf32, #tpu.memory_space<vmem>>, %arg5: memref<1x64xf32, #tpu.memory_space<vmem>>, %arg6: memref<1x32x96x256xf32, #tpu.memory_space<vmem>>) attributes {dimension_semantics = [#tpu.dimension_semantics<arbitrary>, #tpu.dimension_semantics<arbitrary>], iteration_bounds = array<i64: 4, 3>, scalar_prefetch = 0 : i64, scratch_operands = 0 : i64, tpu.core_type = #tpu.core_type<tc>, window_params = [{transform_indices = @transform_0, window_bounds = array<i64: 1, 32, 98, 128>}, {transform_indices = @transform_1, window_bounds = array<i64: 1, 2, 98, 128>}, {pipeline_mode = #tpu.pipeline_mode<synchronous>, transform_indices = @transform_2, window_bounds = array<i64: 2, 2, 2, 384, 64>}, {pipeline_mode = #tpu.pipeline_mode<synchronous>, transform_indices = @transform_3, window_bounds = array<i64: 1, 64>}, {transform_indices = @transform_4, window_bounds = array<i64: 1, 32, 96, 256>}]} {
    %get3A = arith.constant 0 : index
    %get3A_0 = arith.constant 0 : index
    %get3A_1 = arith.constant 0 : index
    %get3A_2 = arith.constant 0 : index
    %get3A_3 = vector.load %arg2[%get3A, %get3A_0, %get3A_1, %get3A_2] : memref<1x32x98x128xf32, #tpu.memory_space<vmem>>, vector<1x32x98x128xf32>
    %get3A_4 = vector.shape_cast %get3A_3 : vector<1x32x98x128xf32> to vector<32x98x128xf32>
    %get3A_5 = arith.constant 0 : index
    %get3A_6 = arith.constant 0 : index
    %get3A_7 = arith.constant 0 : index
    %get3A_8 = arith.constant 0 : index
    %get3A_9 = vector.load %arg3[%get3A_5, %get3A_6, %get3A_7, %get3A_8] : memref<1x2x98x128xf32, #tpu.memory_space<vmem>>, vector<1x2x98x128xf32>
    %get3A_10 = vector.shape_cast %get3A_9 : vector<1x2x98x128xf32> to vector<2x98x128xf32>
    %concatenate3A = tpu.concatenate %get3A_4, %get3A_10 in 0 : vector<32x98x128xf32>, vector<2x98x128xf32> -> vector<34x98x128xf32>
    %max3A = arith.constant 0.000000e+00 : f32
    %max3A_11 = vector.broadcast %max3A : f32 to vector<34x98x128xf32>
    %max3A_12 = arith.maximumf %concatenate3A, %max3A_11 : vector<34x98x128xf32>
    %slice3A = vector.extract_strided_slice %max3A_12 {offsets = [0, 0, 0], sizes = [34, 96, 128], strides = [1, 1, 1]} : vector<34x98x128xf32> to vector<34x96x128xf32>
    %slice3A_13 = vector.extract_strided_slice %max3A_12 {offsets = [0, 1, 0], sizes = [34, 96, 128], strides = [1, 1, 1]} : vector<34x98x128xf32> to vector<34x96x128xf32>
    %slice3A_14 = vector.extract_strided_slice %max3A_12 {offsets = [0, 2, 0], sizes = [34, 96, 128], strides = [1, 1, 1]} : vector<34x98x128xf32> to vector<34x96x128xf32>
    %concatenate3A_15 = tpu.concatenate %slice3A, %slice3A_13, %slice3A_14 in 2 : vector<34x96x128xf32>, vector<34x96x128xf32>, vector<34x96x128xf32> -> vector<34x96x384xf32>
    %slice3A_16 = vector.extract_strided_slice %concatenate3A_15 {offsets = [0, 0, 0], sizes = [32, 96, 384], strides = [1, 1, 1]} : vector<34x96x384xf32> to vector<32x96x384xf32>
    %reshape3A = vector.shape_cast %slice3A_16 : vector<32x96x384xf32> to vector<3072x384xf32>
    %slice3A_17 = vector.extract_strided_slice %concatenate3A_15 {offsets = [1, 0, 0], sizes = [32, 96, 384], strides = [1, 1, 1]} : vector<34x96x384xf32> to vector<32x96x384xf32>
    %reshape3A_18 = vector.shape_cast %slice3A_17 : vector<32x96x384xf32> to vector<3072x384xf32>
    %slice3A_19 = vector.extract_strided_slice %concatenate3A_15 {offsets = [2, 0, 0], sizes = [32, 96, 384], strides = [1, 1, 1]} : vector<34x96x384xf32> to vector<32x96x384xf32>
    %reshape3A_20 = vector.shape_cast %slice3A_19 : vector<32x96x384xf32> to vector<3072x384xf32>
    %get3A_21 = arith.constant 0 : index
    %get3A_22 = arith.constant 0 : index
    %get3A_23 = arith.constant 0 : index
    %get3A_24 = arith.constant 0 : index
    %get3A_25 = arith.constant 0 : index
    %get3A_26 = vector.load %arg4[%get3A_21, %get3A_22, %get3A_23, %get3A_24, %get3A_25] : memref<2x2x2x384x64xf32, #tpu.memory_space<vmem>>, vector<1x1x1x384x64xf32>
    %get3A_27 = vector.shape_cast %get3A_26 : vector<1x1x1x384x64xf32> to vector<384x64xf32>
    %dot_general3A = arith.constant dense<0.000000e+00> : vector<3072x64xf32>
    %dot_general3A_28 = tpu.matmul %reshape3A, %get3A_27, %dot_general3A {dimension_numbers = #tpu.dot_dimension_numbers<[1], [0], [0], [1], [0, 0, 1, 1], [], []>, transpose_lhs_hint = false} : vector<3072x384xf32>, vector<384x64xf32>, vector<3072x64xf32> -> vector<3072x64xf32>
    %get3A_29 = arith.constant 0 : index
    %get3A_30 = arith.constant 0 : index
    %get3A_31 = arith.constant 1 : index
    %get3A_32 = arith.constant 0 : index
    %get3A_33 = arith.constant 0 : index
    %get3A_34 = vector.load %arg4[%get3A_29, %get3A_30, %get3A_31, %get3A_32, %get3A_33] : memref<2x2x2x384x64xf32, #tpu.memory_space<vmem>>, vector<1x1x1x384x64xf32>
    %get3A_35 = vector.shape_cast %get3A_34 : vector<1x1x1x384x64xf32> to vector<384x64xf32>
    %dot_general3A_36 = arith.constant dense<0.000000e+00> : vector<3072x64xf32>
    %dot_general3A_37 = tpu.matmul %reshape3A_18, %get3A_35, %dot_general3A_36 {dimension_numbers = #tpu.dot_dimension_numbers<[1], [0], [0], [1], [0, 0, 1, 1], [], []>, transpose_lhs_hint = false} : vector<3072x384xf32>, vector<384x64xf32>, vector<3072x64xf32> -> vector<3072x64xf32>
    %add3A = arith.addf %dot_general3A_28, %dot_general3A_37 : vector<3072x64xf32>
    %get3A_38 = arith.constant 0 : index
    %get3A_39 = arith.constant 0 : index
    %get3A_40 = vector.load %arg5[%get3A_38, %get3A_39] : memref<1x64xf32, #tpu.memory_space<vmem>>, vector<1x64xf32>
    %add3A_41 = vector.broadcast %get3A_40 : vector<1x64xf32> to vector<3072x64xf32>
    %add3A_42 = arith.addf %add3A, %add3A_41 : vector<3072x64xf32>
    %max3A_43 = arith.constant 0.000000e+00 : f32
    %max3A_44 = vector.broadcast %max3A_43 : f32 to vector<3072x64xf32>
    %max3A_45 = arith.maximumf %add3A_42, %max3A_44 : vector<3072x64xf32>
    %get3A_46 = arith.constant 0 : index
    %get3A_47 = arith.constant 1 : index
    %get3A_48 = arith.constant 0 : index
    %get3A_49 = arith.constant 0 : index
    %get3A_50 = arith.constant 0 : index
    %get3A_51 = vector.load %arg4[%get3A_46, %get3A_47, %get3A_48, %get3A_49, %get3A_50] : memref<2x2x2x384x64xf32, #tpu.memory_space<vmem>>, vector<1x1x1x384x64xf32>
    %get3A_52 = vector.shape_cast %get3A_51 : vector<1x1x1x384x64xf32> to vector<384x64xf32>
    %dot_general3A_53 = arith.constant dense<0.000000e+00> : vector<3072x64xf32>
    %dot_general3A_54 = tpu.matmul %reshape3A, %get3A_52, %dot_general3A_53 {dimension_numbers = #tpu.dot_dimension_numbers<[1], [0], [0], [1], [0, 0, 1, 1], [], []>, transpose_lhs_hint = false} : vector<3072x384xf32>, vector<384x64xf32>, vector<3072x64xf32> -> vector<3072x64xf32>
    %get3A_55 = arith.constant 0 : index
    %get3A_56 = arith.constant 1 : index
    %get3A_57 = arith.constant 1 : index
    %get3A_58 = arith.constant 0 : index
    %get3A_59 = arith.constant 0 : index
    %get3A_60 = vector.load %arg4[%get3A_55, %get3A_56, %get3A_57, %get3A_58, %get3A_59] : memref<2x2x2x384x64xf32, #tpu.memory_space<vmem>>, vector<1x1x1x384x64xf32>
    %get3A_61 = vector.shape_cast %get3A_60 : vector<1x1x1x384x64xf32> to vector<384x64xf32>
    %dot_general3A_62 = arith.constant dense<0.000000e+00> : vector<3072x64xf32>
    %dot_general3A_63 = tpu.matmul %reshape3A_18, %get3A_61, %dot_general3A_62 {dimension_numbers = #tpu.dot_dimension_numbers<[1], [0], [0], [1], [0, 0, 1, 1], [], []>, transpose_lhs_hint = false} : vector<3072x384xf32>, vector<384x64xf32>, vector<3072x64xf32> -> vector<3072x64xf32>
    %add3A_64 = arith.addf %dot_general3A_54, %dot_general3A_63 : vector<3072x64xf32>
    %get3A_65 = arith.constant 0 : index
    %get3A_66 = arith.constant 0 : index
    %get3A_67 = vector.load %arg5[%get3A_65, %get3A_66] : memref<1x64xf32, #tpu.memory_space<vmem>>, vector<1x64xf32>
    %add3A_68 = vector.broadcast %get3A_67 : vector<1x64xf32> to vector<3072x64xf32>
    %add3A_69 = arith.addf %add3A_64, %add3A_68 : vector<3072x64xf32>
    %max3A_70 = arith.constant 0.000000e+00 : f32
    %max3A_71 = vector.broadcast %max3A_70 : f32 to vector<3072x64xf32>
    %max3A_72 = arith.maximumf %add3A_69, %max3A_71 : vector<3072x64xf32>
    %get3A_73 = arith.constant 1 : index
    %get3A_74 = arith.constant 0 : index
    %get3A_75 = arith.constant 0 : index
    %get3A_76 = arith.constant 0 : index
    %get3A_77 = arith.constant 0 : index
    %get3A_78 = vector.load %arg4[%get3A_73, %get3A_74, %get3A_75, %get3A_76, %get3A_77] : memref<2x2x2x384x64xf32, #tpu.memory_space<vmem>>, vector<1x1x1x384x64xf32>
    %get3A_79 = vector.shape_cast %get3A_78 : vector<1x1x1x384x64xf32> to vector<384x64xf32>
    %dot_general3A_80 = arith.constant dense<0.000000e+00> : vector<3072x64xf32>
    %dot_general3A_81 = tpu.matmul %reshape3A_18, %get3A_79, %dot_general3A_80 {dimension_numbers = #tpu.dot_dimension_numbers<[1], [0], [0], [1], [0, 0, 1, 1], [], []>, transpose_lhs_hint = false} : vector<3072x384xf32>, vector<384x64xf32>, vector<3072x64xf32> -> vector<3072x64xf32>
    %get3A_82 = arith.constant 1 : index
    %get3A_83 = arith.constant 0 : index
    %get3A_84 = arith.constant 1 : index
    %get3A_85 = arith.constant 0 : index
    %get3A_86 = arith.constant 0 : index
    %get3A_87 = vector.load %arg4[%get3A_82, %get3A_83, %get3A_84, %get3A_85, %get3A_86] : memref<2x2x2x384x64xf32, #tpu.memory_space<vmem>>, vector<1x1x1x384x64xf32>
    %get3A_88 = vector.shape_cast %get3A_87 : vector<1x1x1x384x64xf32> to vector<384x64xf32>
    %dot_general3A_89 = arith.constant dense<0.000000e+00> : vector<3072x64xf32>
    %dot_general3A_90 = tpu.matmul %reshape3A_20, %get3A_88, %dot_general3A_89 {dimension_numbers = #tpu.dot_dimension_numbers<[1], [0], [0], [1], [0, 0, 1, 1], [], []>, transpose_lhs_hint = false} : vector<3072x384xf32>, vector<384x64xf32>, vector<3072x64xf32> -> vector<3072x64xf32>
    %add3A_91 = arith.addf %dot_general3A_81, %dot_general3A_90 : vector<3072x64xf32>
    %get3A_92 = arith.constant 0 : index
    %get3A_93 = arith.constant 0 : index
    %get3A_94 = vector.load %arg5[%get3A_92, %get3A_93] : memref<1x64xf32, #tpu.memory_space<vmem>>, vector<1x64xf32>
    %add3A_95 = vector.broadcast %get3A_94 : vector<1x64xf32> to vector<3072x64xf32>
    %add3A_96 = arith.addf %add3A_91, %add3A_95 : vector<3072x64xf32>
    %max3A_97 = arith.constant 0.000000e+00 : f32
    %max3A_98 = vector.broadcast %max3A_97 : f32 to vector<3072x64xf32>
    %max3A_99 = arith.maximumf %add3A_96, %max3A_98 : vector<3072x64xf32>
    %get3A_100 = arith.constant 1 : index
    %get3A_101 = arith.constant 1 : index
    %get3A_102 = arith.constant 0 : index
    %get3A_103 = arith.constant 0 : index
    %get3A_104 = arith.constant 0 : index
    %get3A_105 = vector.load %arg4[%get3A_100, %get3A_101, %get3A_102, %get3A_103, %get3A_104] : memref<2x2x2x384x64xf32, #tpu.memory_space<vmem>>, vector<1x1x1x384x64xf32>
    %get3A_106 = vector.shape_cast %get3A_105 : vector<1x1x1x384x64xf32> to vector<384x64xf32>
    %dot_general3A_107 = arith.constant dense<0.000000e+00> : vector<3072x64xf32>
    %dot_general3A_108 = tpu.matmul %reshape3A_18, %get3A_106, %dot_general3A_107 {dimension_numbers = #tpu.dot_dimension_numbers<[1], [0], [0], [1], [0, 0, 1, 1], [], []>, transpose_lhs_hint = false} : vector<3072x384xf32>, vector<384x64xf32>, vector<3072x64xf32> -> vector<3072x64xf32>
    %get3A_109 = arith.constant 1 : index
    %get3A_110 = arith.constant 1 : index
    %get3A_111 = arith.constant 1 : index
    %get3A_112 = arith.constant 0 : index
    %get3A_113 = arith.constant 0 : index
    %get3A_114 = vector.load %arg4[%get3A_109, %get3A_110, %get3A_111, %get3A_112, %get3A_113] : memref<2x2x2x384x64xf32, #tpu.memory_space<vmem>>, vector<1x1x1x384x64xf32>
    %get3A_115 = vector.shape_cast %get3A_114 : vector<1x1x1x384x64xf32> to vector<384x64xf32>
    %dot_general3A_116 = arith.constant dense<0.000000e+00> : vector<3072x64xf32>
    %dot_general3A_117 = tpu.matmul %reshape3A_20, %get3A_115, %dot_general3A_116 {dimension_numbers = #tpu.dot_dimension_numbers<[1], [0], [0], [1], [0, 0, 1, 1], [], []>, transpose_lhs_hint = false} : vector<3072x384xf32>, vector<384x64xf32>, vector<3072x64xf32> -> vector<3072x64xf32>
    %add3A_118 = arith.addf %dot_general3A_108, %dot_general3A_117 : vector<3072x64xf32>
    %get3A_119 = arith.constant 0 : index
    %get3A_120 = arith.constant 0 : index
    %get3A_121 = vector.load %arg5[%get3A_119, %get3A_120] : memref<1x64xf32, #tpu.memory_space<vmem>>, vector<1x64xf32>
    %add3A_122 = vector.broadcast %get3A_121 : vector<1x64xf32> to vector<3072x64xf32>
    %add3A_123 = arith.addf %add3A_118, %add3A_122 : vector<3072x64xf32>
    %max3A_124 = arith.constant 0.000000e+00 : f32
    %max3A_125 = vector.broadcast %max3A_124 : f32 to vector<3072x64xf32>
    %max3A_126 = arith.maximumf %add3A_123, %max3A_125 : vector<3072x64xf32>
    %concatenate3A_127 = tpu.concatenate %max3A_45, %max3A_72, %max3A_99, %max3A_126 in 1 : vector<3072x64xf32>, vector<3072x64xf32>, vector<3072x64xf32>, vector<3072x64xf32> -> vector<3072x256xf32>
    %reshape3A_128 = vector.shape_cast %concatenate3A_127 : vector<3072x256xf32> to vector<32x96x256xf32>
    %swap3A = arith.constant 0 : index
    %swap3A_129 = arith.constant 0 : index
    %swap3A_130 = arith.constant 0 : index
    %swap3A_131 = arith.constant 0 : index
    %swap3A_132 = vector.load %arg6[%swap3A, %swap3A_129, %swap3A_130, %swap3A_131] : memref<1x32x96x256xf32, #tpu.memory_space<vmem>>, vector<1x32x96x256xf32>
    %swap3A_133 = vector.shape_cast %swap3A_132 : vector<1x32x96x256xf32> to vector<32x96x256xf32>
    %swap3A_134 = vector.shape_cast %reshape3A_128 : vector<32x96x256xf32> to vector<1x32x96x256xf32>
    tpu.vector_store %arg6[%swap3A, %swap3A_129, %swap3A_130, %swap3A_131], %swap3A_134 {strides = array<i32>} : memref<1x32x96x256xf32, #tpu.memory_space<vmem>>, vector<1x32x96x256xf32>,
    return
  }
  func.func @transform_0(%arg0: i32, %arg1: i32) -> (i32, i32, i32, i32) {
    %c0_i32 = arith.constant 0 : i32
    %c0_i32_0 = arith.constant 0 : i32
    %c0_i32_1 = arith.constant 0 : i32
    return %arg0, %arg1, %c0_i32, %c0_i32_0 : i32, i32, i32, i32
  }
  func.func @transform_1(%arg0: i32, %arg1: i32) -> (i32, i32, i32, i32) {
    %add3A = arith.constant 1 : i32
    %add3A_0 = arith.addi %arg1, %add3A : i32
    %mul3A = arith.constant 16 : i32
    %mul3A_1 = arith.muli %add3A_0, %mul3A : i32
    %c0_i32 = arith.constant 0 : i32
    %c0_i32_2 = arith.constant 0 : i32
    %c0_i32_3 = arith.constant 0 : i32
    return %arg0, %mul3A_1, %c0_i32, %c0_i32_2 : i32, i32, i32, i32
  }
  func.func @transform_2(%arg0: i32, %arg1: i32) -> (i32, i32, i32, i32, i32) {
    %c0_i32 = arith.constant 0 : i32
    %c0_i32_0 = arith.constant 0 : i32
    %c0_i32_1 = arith.constant 0 : i32
    %c0_i32_2 = arith.constant 0 : i32
    %c0_i32_3 = arith.constant 0 : i32
    %c0_i32_4 = arith.constant 0 : i32
    return %c0_i32, %c0_i32_0, %c0_i32_1, %c0_i32_2, %c0_i32_3 : i32, i32, i32, i32, i32
  }
  func.func @transform_3(%arg0: i32, %arg1: i32) -> (i32, i32) {
    %c0_i32 = arith.constant 0 : i32
    %c0_i32_0 = arith.constant 0 : i32
    %c0_i32_1 = arith.constant 0 : i32
    return %c0_i32, %c0_i32_0 : i32, i32
  }
  func.func @transform_4(%arg0: i32, %arg1: i32) -> (i32, i32, i32, i32) {
    %c0_i32 = arith.constant 0 : i32
    %c0_i32_0 = arith.constant 0 : i32
    %c0_i32_1 = arith.constant 0 : i32
    return %arg0, %arg1, %c0_i32, %c0_i32_0 : i32, i32, i32, i32
  }
}

module attributes {stable_mosaic.version = 14 : i64} {
  func.func @_dtrans_body(%arg0: i32, %arg1: i32, %arg2: memref<1x32x194x64xf32, #tpu.memory_space<vmem>>, %arg3: memref<1x2x194x64xf32, #tpu.memory_space<vmem>>, %arg4: memref<2x2x2x192x3xf32, #tpu.memory_space<vmem>>, %arg5: memref<1x3xf32, #tpu.memory_space<vmem>>, %arg6: memref<1x32x192x12xf32, #tpu.memory_space<vmem>>) attributes {dimension_semantics = [#tpu.dimension_semantics<arbitrary>, #tpu.dimension_semantics<arbitrary>], iteration_bounds = array<i64: 4, 6>, scalar_prefetch = 0 : i64, scratch_operands = 0 : i64, tpu.core_type = #tpu.core_type<tc>, window_params = [{transform_indices = @transform_0, window_bounds = array<i64: 1, 32, 194, 64>}, {transform_indices = @transform_1, window_bounds = array<i64: 1, 2, 194, 64>}, {pipeline_mode = #tpu.pipeline_mode<synchronous>, transform_indices = @transform_2, window_bounds = array<i64: 2, 2, 2, 192, 3>}, {pipeline_mode = #tpu.pipeline_mode<synchronous>, transform_indices = @transform_3, window_bounds = array<i64: 1, 3>}, {transform_indices = @transform_4, window_bounds = array<i64: 1, 32, 192, 12>}]} {
    %get3A = arith.constant 0 : index
    %get3A_0 = arith.constant 0 : index
    %get3A_1 = arith.constant 0 : index
    %get3A_2 = arith.constant 0 : index
    %get3A_3 = vector.load %arg2[%get3A, %get3A_0, %get3A_1, %get3A_2] : memref<1x32x194x64xf32, #tpu.memory_space<vmem>>, vector<1x32x194x64xf32>
    %get3A_4 = vector.shape_cast %get3A_3 : vector<1x32x194x64xf32> to vector<32x194x64xf32>
    %get3A_5 = arith.constant 0 : index
    %get3A_6 = arith.constant 0 : index
    %get3A_7 = arith.constant 0 : index
    %get3A_8 = arith.constant 0 : index
    %get3A_9 = vector.load %arg3[%get3A_5, %get3A_6, %get3A_7, %get3A_8] : memref<1x2x194x64xf32, #tpu.memory_space<vmem>>, vector<1x2x194x64xf32>
    %get3A_10 = vector.shape_cast %get3A_9 : vector<1x2x194x64xf32> to vector<2x194x64xf32>
    %concatenate3A = tpu.concatenate %get3A_4, %get3A_10 in 0 : vector<32x194x64xf32>, vector<2x194x64xf32> -> vector<34x194x64xf32>
    %slice3A = vector.extract_strided_slice %concatenate3A {offsets = [0, 0, 0], sizes = [34, 192, 64], strides = [1, 1, 1]} : vector<34x194x64xf32> to vector<34x192x64xf32>
    %slice3A_11 = vector.extract_strided_slice %concatenate3A {offsets = [0, 1, 0], sizes = [34, 192, 64], strides = [1, 1, 1]} : vector<34x194x64xf32> to vector<34x192x64xf32>
    %slice3A_12 = vector.extract_strided_slice %concatenate3A {offsets = [0, 2, 0], sizes = [34, 192, 64], strides = [1, 1, 1]} : vector<34x194x64xf32> to vector<34x192x64xf32>
    %concatenate3A_13 = tpu.concatenate %slice3A, %slice3A_11, %slice3A_12 in 2 : vector<34x192x64xf32>, vector<34x192x64xf32>, vector<34x192x64xf32> -> vector<34x192x192xf32>
    %slice3A_14 = vector.extract_strided_slice %concatenate3A_13 {offsets = [0, 0, 0], sizes = [32, 192, 192], strides = [1, 1, 1]} : vector<34x192x192xf32> to vector<32x192x192xf32>
    %reshape3A = vector.shape_cast %slice3A_14 : vector<32x192x192xf32> to vector<6144x192xf32>
    %slice3A_15 = vector.extract_strided_slice %concatenate3A_13 {offsets = [1, 0, 0], sizes = [32, 192, 192], strides = [1, 1, 1]} : vector<34x192x192xf32> to vector<32x192x192xf32>
    %reshape3A_16 = vector.shape_cast %slice3A_15 : vector<32x192x192xf32> to vector<6144x192xf32>
    %slice3A_17 = vector.extract_strided_slice %concatenate3A_13 {offsets = [2, 0, 0], sizes = [32, 192, 192], strides = [1, 1, 1]} : vector<34x192x192xf32> to vector<32x192x192xf32>
    %reshape3A_18 = vector.shape_cast %slice3A_17 : vector<32x192x192xf32> to vector<6144x192xf32>
    %get3A_19 = arith.constant 0 : index
    %get3A_20 = arith.constant 0 : index
    %get3A_21 = arith.constant 0 : index
    %get3A_22 = arith.constant 0 : index
    %get3A_23 = arith.constant 0 : index
    %get3A_24 = vector.load %arg4[%get3A_19, %get3A_20, %get3A_21, %get3A_22, %get3A_23] : memref<2x2x2x192x3xf32, #tpu.memory_space<vmem>>, vector<1x1x1x192x3xf32>
    %get3A_25 = vector.shape_cast %get3A_24 : vector<1x1x1x192x3xf32> to vector<192x3xf32>
    %dot_general3A = arith.constant dense<0.000000e+00> : vector<6144x3xf32>
    %dot_general3A_26 = tpu.matmul %reshape3A, %get3A_25, %dot_general3A {dimension_numbers = #tpu.dot_dimension_numbers<[1], [0], [0], [1], [0, 0, 1, 1], [], []>, transpose_lhs_hint = false} : vector<6144x192xf32>, vector<192x3xf32>, vector<6144x3xf32> -> vector<6144x3xf32>
    %get3A_27 = arith.constant 0 : index
    %get3A_28 = arith.constant 0 : index
    %get3A_29 = arith.constant 1 : index
    %get3A_30 = arith.constant 0 : index
    %get3A_31 = arith.constant 0 : index
    %get3A_32 = vector.load %arg4[%get3A_27, %get3A_28, %get3A_29, %get3A_30, %get3A_31] : memref<2x2x2x192x3xf32, #tpu.memory_space<vmem>>, vector<1x1x1x192x3xf32>
    %get3A_33 = vector.shape_cast %get3A_32 : vector<1x1x1x192x3xf32> to vector<192x3xf32>
    %dot_general3A_34 = arith.constant dense<0.000000e+00> : vector<6144x3xf32>
    %dot_general3A_35 = tpu.matmul %reshape3A_16, %get3A_33, %dot_general3A_34 {dimension_numbers = #tpu.dot_dimension_numbers<[1], [0], [0], [1], [0, 0, 1, 1], [], []>, transpose_lhs_hint = false} : vector<6144x192xf32>, vector<192x3xf32>, vector<6144x3xf32> -> vector<6144x3xf32>
    %add3A = arith.addf %dot_general3A_26, %dot_general3A_35 : vector<6144x3xf32>
    %get3A_36 = arith.constant 0 : index
    %get3A_37 = arith.constant 0 : index
    %get3A_38 = vector.load %arg5[%get3A_36, %get3A_37] : memref<1x3xf32, #tpu.memory_space<vmem>>, vector<1x3xf32>
    %add3A_39 = vector.broadcast %get3A_38 : vector<1x3xf32> to vector<6144x3xf32>
    %add3A_40 = arith.addf %add3A, %add3A_39 : vector<6144x3xf32>
    %get3A_41 = arith.constant 0 : index
    %get3A_42 = arith.constant 1 : index
    %get3A_43 = arith.constant 0 : index
    %get3A_44 = arith.constant 0 : index
    %get3A_45 = arith.constant 0 : index
    %get3A_46 = vector.load %arg4[%get3A_41, %get3A_42, %get3A_43, %get3A_44, %get3A_45] : memref<2x2x2x192x3xf32, #tpu.memory_space<vmem>>, vector<1x1x1x192x3xf32>
    %get3A_47 = vector.shape_cast %get3A_46 : vector<1x1x1x192x3xf32> to vector<192x3xf32>
    %dot_general3A_48 = arith.constant dense<0.000000e+00> : vector<6144x3xf32>
    %dot_general3A_49 = tpu.matmul %reshape3A, %get3A_47, %dot_general3A_48 {dimension_numbers = #tpu.dot_dimension_numbers<[1], [0], [0], [1], [0, 0, 1, 1], [], []>, transpose_lhs_hint = false} : vector<6144x192xf32>, vector<192x3xf32>, vector<6144x3xf32> -> vector<6144x3xf32>
    %get3A_50 = arith.constant 0 : index
    %get3A_51 = arith.constant 1 : index
    %get3A_52 = arith.constant 1 : index
    %get3A_53 = arith.constant 0 : index
    %get3A_54 = arith.constant 0 : index
    %get3A_55 = vector.load %arg4[%get3A_50, %get3A_51, %get3A_52, %get3A_53, %get3A_54] : memref<2x2x2x192x3xf32, #tpu.memory_space<vmem>>, vector<1x1x1x192x3xf32>
    %get3A_56 = vector.shape_cast %get3A_55 : vector<1x1x1x192x3xf32> to vector<192x3xf32>
    %dot_general3A_57 = arith.constant dense<0.000000e+00> : vector<6144x3xf32>
    %dot_general3A_58 = tpu.matmul %reshape3A_16, %get3A_56, %dot_general3A_57 {dimension_numbers = #tpu.dot_dimension_numbers<[1], [0], [0], [1], [0, 0, 1, 1], [], []>, transpose_lhs_hint = false} : vector<6144x192xf32>, vector<192x3xf32>, vector<6144x3xf32> -> vector<6144x3xf32>
    %add3A_59 = arith.addf %dot_general3A_49, %dot_general3A_58 : vector<6144x3xf32>
    %get3A_60 = arith.constant 0 : index
    %get3A_61 = arith.constant 0 : index
    %get3A_62 = vector.load %arg5[%get3A_60, %get3A_61] : memref<1x3xf32, #tpu.memory_space<vmem>>, vector<1x3xf32>
    %add3A_63 = vector.broadcast %get3A_62 : vector<1x3xf32> to vector<6144x3xf32>
    %add3A_64 = arith.addf %add3A_59, %add3A_63 : vector<6144x3xf32>
    %get3A_65 = arith.constant 1 : index
    %get3A_66 = arith.constant 0 : index
    %get3A_67 = arith.constant 0 : index
    %get3A_68 = arith.constant 0 : index
    %get3A_69 = arith.constant 0 : index
    %get3A_70 = vector.load %arg4[%get3A_65, %get3A_66, %get3A_67, %get3A_68, %get3A_69] : memref<2x2x2x192x3xf32, #tpu.memory_space<vmem>>, vector<1x1x1x192x3xf32>
    %get3A_71 = vector.shape_cast %get3A_70 : vector<1x1x1x192x3xf32> to vector<192x3xf32>
    %dot_general3A_72 = arith.constant dense<0.000000e+00> : vector<6144x3xf32>
    %dot_general3A_73 = tpu.matmul %reshape3A_16, %get3A_71, %dot_general3A_72 {dimension_numbers = #tpu.dot_dimension_numbers<[1], [0], [0], [1], [0, 0, 1, 1], [], []>, transpose_lhs_hint = false} : vector<6144x192xf32>, vector<192x3xf32>, vector<6144x3xf32> -> vector<6144x3xf32>
    %get3A_74 = arith.constant 1 : index
    %get3A_75 = arith.constant 0 : index
    %get3A_76 = arith.constant 1 : index
    %get3A_77 = arith.constant 0 : index
    %get3A_78 = arith.constant 0 : index
    %get3A_79 = vector.load %arg4[%get3A_74, %get3A_75, %get3A_76, %get3A_77, %get3A_78] : memref<2x2x2x192x3xf32, #tpu.memory_space<vmem>>, vector<1x1x1x192x3xf32>
    %get3A_80 = vector.shape_cast %get3A_79 : vector<1x1x1x192x3xf32> to vector<192x3xf32>
    %dot_general3A_81 = arith.constant dense<0.000000e+00> : vector<6144x3xf32>
    %dot_general3A_82 = tpu.matmul %reshape3A_18, %get3A_80, %dot_general3A_81 {dimension_numbers = #tpu.dot_dimension_numbers<[1], [0], [0], [1], [0, 0, 1, 1], [], []>, transpose_lhs_hint = false} : vector<6144x192xf32>, vector<192x3xf32>, vector<6144x3xf32> -> vector<6144x3xf32>
    %add3A_83 = arith.addf %dot_general3A_73, %dot_general3A_82 : vector<6144x3xf32>
    %get3A_84 = arith.constant 0 : index
    %get3A_85 = arith.constant 0 : index
    %get3A_86 = vector.load %arg5[%get3A_84, %get3A_85] : memref<1x3xf32, #tpu.memory_space<vmem>>, vector<1x3xf32>
    %add3A_87 = vector.broadcast %get3A_86 : vector<1x3xf32> to vector<6144x3xf32>
    %add3A_88 = arith.addf %add3A_83, %add3A_87 : vector<6144x3xf32>
    %get3A_89 = arith.constant 1 : index
    %get3A_90 = arith.constant 1 : index
    %get3A_91 = arith.constant 0 : index
    %get3A_92 = arith.constant 0 : index
    %get3A_93 = arith.constant 0 : index
    %get3A_94 = vector.load %arg4[%get3A_89, %get3A_90, %get3A_91, %get3A_92, %get3A_93] : memref<2x2x2x192x3xf32, #tpu.memory_space<vmem>>, vector<1x1x1x192x3xf32>
    %get3A_95 = vector.shape_cast %get3A_94 : vector<1x1x1x192x3xf32> to vector<192x3xf32>
    %dot_general3A_96 = arith.constant dense<0.000000e+00> : vector<6144x3xf32>
    %dot_general3A_97 = tpu.matmul %reshape3A_16, %get3A_95, %dot_general3A_96 {dimension_numbers = #tpu.dot_dimension_numbers<[1], [0], [0], [1], [0, 0, 1, 1], [], []>, transpose_lhs_hint = false} : vector<6144x192xf32>, vector<192x3xf32>, vector<6144x3xf32> -> vector<6144x3xf32>
    %get3A_98 = arith.constant 1 : index
    %get3A_99 = arith.constant 1 : index
    %get3A_100 = arith.constant 1 : index
    %get3A_101 = arith.constant 0 : index
    %get3A_102 = arith.constant 0 : index
    %get3A_103 = vector.load %arg4[%get3A_98, %get3A_99, %get3A_100, %get3A_101, %get3A_102] : memref<2x2x2x192x3xf32, #tpu.memory_space<vmem>>, vector<1x1x1x192x3xf32>
    %get3A_104 = vector.shape_cast %get3A_103 : vector<1x1x1x192x3xf32> to vector<192x3xf32>
    %dot_general3A_105 = arith.constant dense<0.000000e+00> : vector<6144x3xf32>
    %dot_general3A_106 = tpu.matmul %reshape3A_18, %get3A_104, %dot_general3A_105 {dimension_numbers = #tpu.dot_dimension_numbers<[1], [0], [0], [1], [0, 0, 1, 1], [], []>, transpose_lhs_hint = false} : vector<6144x192xf32>, vector<192x3xf32>, vector<6144x3xf32> -> vector<6144x3xf32>
    %add3A_107 = arith.addf %dot_general3A_97, %dot_general3A_106 : vector<6144x3xf32>
    %get3A_108 = arith.constant 0 : index
    %get3A_109 = arith.constant 0 : index
    %get3A_110 = vector.load %arg5[%get3A_108, %get3A_109] : memref<1x3xf32, #tpu.memory_space<vmem>>, vector<1x3xf32>
    %add3A_111 = vector.broadcast %get3A_110 : vector<1x3xf32> to vector<6144x3xf32>
    %add3A_112 = arith.addf %add3A_107, %add3A_111 : vector<6144x3xf32>
    %concatenate3A_113 = tpu.concatenate %add3A_40, %add3A_64, %add3A_88, %add3A_112 in 1 : vector<6144x3xf32>, vector<6144x3xf32>, vector<6144x3xf32>, vector<6144x3xf32> -> vector<6144x12xf32>
    %reshape3A_114 = vector.shape_cast %concatenate3A_113 : vector<6144x12xf32> to vector<32x192x12xf32>
    %swap3A = arith.constant 0 : index
    %swap3A_115 = arith.constant 0 : index
    %swap3A_116 = arith.constant 0 : index
    %swap3A_117 = arith.constant 0 : index
    %swap3A_118 = vector.load %arg6[%swap3A, %swap3A_115, %swap3A_116, %swap3A_117] : memref<1x32x192x12xf32, #tpu.memory_space<vmem>>, vector<1x32x192x12xf32>
    %swap3A_119 = vector.shape_cast %swap3A_118 : vector<1x32x192x12xf32> to vector<32x192x12xf32>
    %swap3A_120 = vector.shape_cast %reshape3A_114 : vector<32x192x12xf32> to vector<1x32x192x12xf32>
    tpu.vector_store %arg6[%swap3A, %swap3A_115, %swap3A_116, %swap3A_117], %swap3A_120 {strides = array<i32>} : memref<1x32x192x12xf32, #tpu.memory_space<vmem>>, vector<1x32x192x12xf32>,
    return
  }
  func.func @transform_0(%arg0: i32, %arg1: i32) -> (i32, i32, i32, i32) {
    %c0_i32 = arith.constant 0 : i32
    %c0_i32_0 = arith.constant 0 : i32
    %c0_i32_1 = arith.constant 0 : i32
    return %arg0, %arg1, %c0_i32, %c0_i32_0 : i32, i32, i32, i32
  }
  func.func @transform_1(%arg0: i32, %arg1: i32) -> (i32, i32, i32, i32) {
    %add3A = arith.constant 1 : i32
    %add3A_0 = arith.addi %arg1, %add3A : i32
    %mul3A = arith.constant 16 : i32
    %mul3A_1 = arith.muli %add3A_0, %mul3A : i32
    %c0_i32 = arith.constant 0 : i32
    %c0_i32_2 = arith.constant 0 : i32
    %c0_i32_3 = arith.constant 0 : i32
    return %arg0, %mul3A_1, %c0_i32, %c0_i32_2 : i32, i32, i32, i32
  }
  func.func @transform_2(%arg0: i32, %arg1: i32) -> (i32, i32, i32, i32, i32) {
    %c0_i32 = arith.constant 0 : i32
    %c0_i32_0 = arith.constant 0 : i32
    %c0_i32_1 = arith.constant 0 : i32
    %c0_i32_2 = arith.constant 0 : i32
    %c0_i32_3 = arith.constant 0 : i32
    %c0_i32_4 = arith.constant 0 : i32
    return %c0_i32, %c0_i32_0, %c0_i32_1, %c0_i32_2, %c0_i32_3 : i32, i32, i32, i32, i32
  }
  func.func @transform_3(%arg0: i32, %arg1: i32) -> (i32, i32) {
    %c0_i32 = arith.constant 0 : i32
    %c0_i32_0 = arith.constant 0 : i32
    %c0_i32_1 = arith.constant 0 : i32
    return %c0_i32, %c0_i32_0 : i32, i32
  }
  func.func @transform_4(%arg0: i32, %arg1: i32) -> (i32, i32, i32, i32) {
    %c0_i32 = arith.constant 0 : i32
    %c0_i32_0 = arith.constant 0 : i32
    %c0_i32_1 = arith.constant 0 : i32
    return %arg0, %arg1, %c0_i32, %c0_i32_0 : i32, i32, i32, i32
  }
}

</mosaic_0001>

<sc_bundles>
// kernel: sparse-core-data-format-call.cloned.1.call-start
scs
called_computation_lowered:
.L_overlay_start_0:
0x0: {  	s1 =	sld [smem:$0x3FD9]  }
0x1: {  	s2 =	sld [smem:$0x3FFE];
	_ =	sdelay $0x1  }
0x2: {  	s3 =	srdreg.scid  }
0x3: {  	s0 =	sand.u32 $0x1, s3  }
0x4: {  	s17 =	sshll.u32 s0, $0xA;
	s1 =	sadd.s32 s2, s1  }
0x5: {  	s1 =	sadd.s32 s1, s17  }
0x6: {  	[smem:$0x3FA8] =	sst s1  }
0x7: {  	_ = 	snop  }
0x8: {  	(tm) =	ssettm $0x1  }
0x9: {  	s18 =	sld [smem:$0x3FFB];
	_ =	sdelay $0x3  }
0xa: {  	_ =	strace s18  }
0xb: {  	s1 =	sld [smem:$0x3FFC];
	_ =	sdelay $0x3  }
0xc: {  	_ =	strace s1  }
0xd: {  	s1 =	sld [smem:$0x3FFD];
	_ =	sdelay $0x3  }
0xe: {  	_ =	strace s1  }
0xf: {  	_ =	strace $0x8FFFFFFF  }
0x10: {  	s19 =	sld [smem:$0x3FDB];
	_ =	sdelay $0x1  }
0x11: {  	s20 =	simm.s32 $_scs_section_size  }
0x12: {  	s4 =	simm.s32 $_size__tile_overlayer_lowered;
	s5 =	simm.s32 $_tile_overlayer_lowered  }
0x13: {  	s23 =	simm.s32 $0x1BFF;
	s22 =	sshll.u32 s5, $0x1;
	s1 =	sadd.s32 s20, s19  }
0x14: {  	s6 =	simm.s32 $0x0;
	s21 =	sshll.u32 s4, $0x1;
	s4 =	sadd.s32 s22, s1  }
0x15: {  	[timem:s6], [sflag:s23] =	dma.local [hbm:s4], s21  }
0x16: {  	_ =	swait.ge [sflag:s23], s21  }
0x17: {  	s2 =	ssub.s32 $0x0, s21;
	[sflag:s23] =	ssyncset.done $0x0  }
0x18: {  	[sflag:s23] =	ssyncadd.s32 s2;
	_ =	sdelay $0x1  }
0x19: {  	s24 =	simm.s32 $0x1B8B  }
0x1a: {  	_ =	swait.ge [sflag:s24], $0x1  }
0x1b: {  	[sflag:s24] =	ssyncset.done $0x0  }
0x1c: {  	s26 =	simm.s32 $0x1B8E;
	s25 =	sld [smem:$0x3FFE];
	[sflag:s24] =	ssyncadd.s32 $0xFFFFFFFF  }
0x1d: {  	s27 =	simm.s32 $execute0_lowered;
	[smem:$0x3FD2] =	sst s26  }
0x1e: {  	s4 =	sshll.u32 s27, $0x1;
	_ =	strace $0x80000046;
	[dreg:$0x1] =	wrdreg $0xFFFFFFFF  }
0x1f: {  	s28 =	simm.s32 $_size_execute0_lowered;
	s1 =	sadd.s32 s1, s4;
	[dreg:$0x0] =	wrdreg $0x0  }
0x20: {  	s4 =	sshll.u32 s28, $0x1;
	[dreg:$0x2] =	wrdreg s1  }
0x21: {  	[dreg:$0x3] =	wrdreg s4  }
0x22: {  	[dreg:$0x4] =	wrdreg $0xC0  }
0x23: {  	_ =	task [dreg:s6], $0x5FFFF  }
0x24: {  	[dreg:$0x1] =	wrdreg $0xFFFFFFFF  }
0x25: {  	[dreg:$0x0] =	wrdreg $0x60  }
0x26: {  	[dreg:$0x2] =	wrdreg s25  }
0x27: {  	[dreg:$0x3] =	wrdreg $0x9  }
0x28: {  	_ =	task.clear_ibuf [dreg:s6], $0x4FFFF;
	_ =	strace $0x90000046  }
0x29: {  	s29 =	simm.s32 $0x9;
	_ =	strace $0x80000048  }
0x2a: {  	_ =	swait.ge [sflag:s29], $0x1  }
0x2b: {  	[sflag:s29] =	ssyncadd.s32 $0xFFFFFFFF  }
0x2c: {  	_ =	strace $0x90000048  }
0x2d: {  	_ =	sfence  }
0x2e: {  	s30 =	sld [smem:$0x0];
	_ =	sdelay $0x2  }
0x2f: {  	s31 =	sshll.u32 s3, $0xD;
	s3 =	sshrl.u32 s3, $0x2  }
0x30: {  	s2 =	sand.u32 $0x4000, s31;
	s1 =	sadd.s32 s3, s30  }
0x31: {  	s0 =	sor.u32 s2, s0;
	s1 =	sshll.u32 s1, $0x11  }
0x32: {  	s0 =	sor.u32 s1, s0  }
0x33: {  	s0 =	sadd.s32 $0x8F2B, s0  }
0x34: {  	[sflag:s0] =	ssyncadd.remote.s32 $0x1  }
0x35: {  	_ =	sfence.sel $0xFFFF  }
0x36: {  	[dreg:$0x0] =	wrdreg $0xFFFFFFFF;
	(pc) =	sbr.abs _section_cstart, $3  }
0x37: {  	[dreg:$0x1] =	wrdreg $0xFFFFFFFF  }
0x38: {  	_ =	task.clear_ibuf [dreg:s6], $0x2FFFF;
	_ =	strace $0x9FFFFFFF  }
0x39: {  	(tm) =	ssettm $0x7FFFFFFF  }
tec
execute0_lowered:
.L_overlay_start_1:
0x0: {  	(tag) =	ssettag $0x1  }
0x1: {  	s1 =	rddreg [dreg:$0x0]  }
0x2: {  	s0 =	rddreg [dreg:$0x1];
	s3 =	srdreg.scid  }
0x3: {  	_ =	strace $0x80000047;
	s5 =	simm.s32 $0x1;
	s7 =	simm.s32 $0x2  }
0x4: {  	s16 =	simm.s32 $0x0;
	p0 =	por $0x0, $0x0;
	s8 =	simm.s32 $0x80  }
0x5: {  	s17 =	simm.s32 $0x0;
	s18 =	simm.s32 $0x0;
	s9 =	simm.s32 $0x0  }
0x6: {  	s11 =	simm.s32 $0x0;
	s12 =	simm.s32 $0x0;
	s13 =	simm.s32 $0x0  }
.Ltmp0:
0x7: {  	s2 =	sadd.s32 $0x126400, s1;
	s4 =	sshll.u32 s3, $0x4;
	(pc) =	sbr.rel .LBB1_1-.Ltmp0, $4  }
0x8: {  	s3 =	sadd.s32 $0x2A6400, s1;
	s1 =	stileid.u32;
	s4 =	sand.u32 $0x10, s4  }
0x9: {  	s10 =	simm.s32 $0x0;
	[sflag:s5] =	ssyncpa.u1 $0x0;
	s6 =	sor.u32 s1, s4  }
0xa: {  	[sflag:s7] =	ssyncpa.u1 $0x0;
	s4 =	sand.u32 $0x3, s1;
	s6 =	sshrl.u32 s6, $0x2  }
0xb: {  	s7 =	simm.s32 $0x40;
	s15 =	smov.u32 s4;
	s14 =	smov.u32 s6  }
.LBB1_7:
0xc: {  	p1 =	slt.u32 s10, $0x2;
	s19 =	smov.u32 s18  }
0xd: {  	p2 =	sgt.s32 @!p1 s18, $0x3;
	s20 =	sshra.s32 @!p1 s18, $0x1F;
	s21 =	sshra.s32 @!p1 s17, $0x1F  }
0xe: {  	p2 =	por !p2, p1;
	s18 =	sand.u32 @!p1 s20, s18;
	s20 =	smov.u32 s17  }
0xf: {  	s19 =	simm.s32 @p2 $0x3;
	p2 =	sgt.s32 @!p1 s17, $0x5F;
	s17 =	sand.u32 @!p1 s21, s17  }
0x10: {  	s21 =	sshra.s32 @!p1 s16, $0x1F;
	s18 =	ssub.s32 @!p1 s19, s18;
	p3 =	por !p2, p1  }
0x11: {  	s19 =	sadd.s32 @!p1 $0xFFFFFFFD, s18;
	s20 =	simm.s32 @p3 $0x5F;
	s18 =	ssub.s32 @!p1 $0x4, s18  }
0x12: {  	p3 =	sgt.s32 @!p1 s16, $0x1;
	p2 =	sgt.s32 @!p1 s19, $0x0;
	s17 =	ssub.s32 @!p1 s20, s17  }
0x13: {  	p3 =	por !p3, p1;
	s20 =	smov.u32 s16;
	s16 =	sand.u32 @!p1 s21, s16  }
0x14: {  	s18 =	smul.u32 @!p1 $0xC000, s18;
	s19 =	sadd.s32 @!p1 $0xFFFFFFA1, s17;
	s20 =	simm.s32 @p3 $0x1  }
0x15: {  	s17 =	ssub.s32 @!p1 $0x60, s17;
	s16 =	sxor.u32 @!p1 $0xFFFFFFFF, s16;
	p3 =	sgt.s32 @!p1 s19, $0x0  }
0x16: {  	p2 =	por !p2, p1;
	s16 =	sadd.s32 @!p1 s16, s20;
	p3 =	por !p3, p1  }
0x17: {  	s18 =	simm.s32 @!p2 $0x0;
	s17 =	simm.s32 @!p3 $0x0;
	p3 =	sgt.s32 @!p1 s16, $0x0  }
0x18: {  	s16 =	ssub.s32 @!p1 $0x1, s16;
	p2 =	por !p3, p1;
	s17 =	smul.u32 @!p1 s17, s18  }
0x19: {  	s19 =	sadd.s32 $0x1, s13;
	s20 =	smov.u32 s14;
	s16 =	simm.s32 @!p2 $0x0  }
0x1a: {  	p2 =	sgt.s32 s19, $0x1;
	s16 =	smul.u32 @!p1 s16, s17;
	s17 =	sadd.s32 $0x8, s14  }
0x1b: {  	s20 =	smov.u32 @p2 s17  }
0x1c: {  	s22 =	smov.u32 s15;
	s17 =	sadd.s32 $0x4, s15;
	p3 =	sgt.s32 s20, $0x5F  }
0x1d: {  	s10 =	sadd.s32 $0x1, s10;
	p0 =	por !p0, !p0;
	s22 =	smov.u32 @p3 s17  }
0x1e: {  	s21 =	simm.s32 @!p1 $0x2;
	s19 =	simm.s32 @p2 $0x0;
	p2 =	sgt.s32 s22, $0x3  }
0x1f: {  	s18 =	smov.u32 s12;
	s22 =	smov.u32 @p2 s4;
	p2 =	sne.s32 s10, $0x1A  }
.Ltmp1:
0x20: {  	s12 =	smov.u32 s15;
	s16 =	sshrl.u32 @!p1 s16, $0x2;
	(pc) =	sbr.rel @!p2 .LBB1_8-.Ltmp1, $4  }
0x21: {  	_ =	swait.ge @!p1 [sflag:s21], s16;
	s23 =	ssub.s32 @!p1 $0x0, s16;
	s16 =	smov.u32 s9  }
0x22: {  	s17 =	smov.u32 s11;
	s20 =	smov.u32 @p3 s6;
	s9 =	smov.u32 s13  }
0x23: {  	s11 =	smov.u32 s14;
	s13 =	smov.u32 s19;
	[sflag:s21] =	ssyncset.done @!p1 $0x0  }
0x24: {  	s14 =	smov.u32 s20;
	[sflag:s21] =	ssyncadd.s32 @!p1 s23;
	s15 =	smov.u32 s22  }
.LBB1_1:
0x25: {  	p1 =	sgt.u32 s10, $0x17  }
0x26: {  	s19 =	smul.u32 @!p1 $0x60000, s15;
	_ =	sdelay $0x1  }
0x27: {  	s20 =	sxor.u32 @!p1 $0xFFFFFFFF, s10;
	s21 =	sshll.u32 @!p1 s14, $0xC;
	s19 =	sadd.s32 @!p1 s2, s19  }
0x28: {  	s22 =	sshll.u32 @!p1 s13, $0xB;
	s20 =	sshll.u32 @!p1 s20, $0xE;
	s19 =	sadd.s32 @!p1 s21, s19  }
0x29: {  	s20 =	sand.u32 @!p1 $0x4000, s20;
	s21 =	simm.s32 @!p1 $0x0;
	s19 =	sadd.s32 @!p1 s22, s19  }
0x2a: {  	[tilespmem:s20], [sflag:$0x1] =	stream.linear.gather @!p1 [hbm4b:s19+s21], $0x4000, $0x38;
	[tilespmem:$0x10200] =	vst v63  }
0x2b: {  	p1 =	seq.s32 s10, $0x0  }
0x2c: {  	p2 =	seq.s32 @!p1 s10, $0x19  }
0x2d: {  	p1 =	por p1, p2  }
.Ltmp2:
0x2e: {  	_ = 	snop;
	(pc) =	sbr.rel @p1 .LBB1_7-.Ltmp2, $1  }
0x2f: {  	_ =	sdelay $0x3  }
0x30: {  	s19 =	simm.s32 $0x1;
	s21 =	sand.u32 $0x1, s10  }
0x31: {  	_ =	swait.ge [sflag:s5], $0x4000;
	s19 =	simm.s32 @!p0 $0x0;
	s21 =	smul.u32 $0x10400, s21  }
0x32: {  	p2 =	por $0x1, $0x1;
	[sflag:s5] =	ssyncset.done $0x0;
	s20 =	smul.u32 $0x10400, s19  }
0x33: {  	s22 =	sshll.u32 s19, $0x10;
	[sflag:s5] =	ssyncadd.s32 $0xFFFFC000;
	s30 =	sshrl.u32 s21, $0x2  }
0x34: {  	s31 =	sshrl.u32 s22, $0x2;
	s22 =	simm.s32 $0x0;
	s20 =	sshrl.u32 s20, $0x2  }
0x35: {  	s19 =	sor.u32 $0x8000, s30;
	s21 =	sadd.s32 $0x40, s31;
	s20 =	sor.u32 $0x8000, s20  }
.LBB1_3:
0x36: {  	s23 =	sshll.u32 s22, $0xD  }
0x37: {  	s23 =	sand.u32 $0x3FFFE000, s23  }
0x38: {  	s24 =	sadd.s32 s23, s21  }
0x39: {  	s31 =	sand.u32 $0x1, s22;
	v0 =	vld [tilespmem:s24+$0x30]  }
0x3a: {  	s22 =	simm.s32 $0x41;
	p1 =	seq.s32 s31, $0x1;
	v1 =	vld [tilespmem:s24+$0xFFFFFFD0]  }
0x3b: {  	s22 =	simm.s32 @!p1 $0x0;
	v5 =	vld [tilespmem:s24+$0xFFFFFFE0]  }
0x3c: {  	s22 =	sadd.s32 s22, s20;
	v6 =	vld [tilespmem:s24+$0xFFFFFFF0]  }
0x3d: {  	v2 =	vld [tilespmem:s24+$0x0];
	s23 =	sadd.s32 $0x0, s22  }
0x3e: {  	v3 =	vld [tilespmem:s24+$0x10];
	[tilespmem:s23+$0x38E0 ss:$0x82] =	vst.msk $0xffff, v0  }
0x3f: {  	v4 =	vld [tilespmem:s24+$0x20];
	[tilespmem:s23+$0x820 ss:$0x82] =	vst.msk $0xffff, v1  }
0x40: {  	v0 =	vld [tilespmem:s24+$0xFFFFFFC0];
	[tilespmem:s23+$0x1040 ss:$0x82] =	vst.msk $0xffff, v5;
	s24 =	sadd.s32 $0x80, s24  }
0x41: {  	s25 =	simm.s32 $0x4;
	s26 =	simm.s32 $0x8;
	p1 =	por p2, p2;
	[tilespmem:s23+$0x1860 ss:$0x82] =	vst.msk $0xffff, v6;
	v1 =	vld [tilespmem:s24+$0x30]  }
.LBB1_4:
0x42: {  	p2 =	sne.s32 s26, $0xFC;
	v5 =	vld [tilespmem:s24+$0xFFFFFFD0];
	[tilespmem:s23+$0x2080 ss:$0x82] =	vst.msk $0xffff, v2  }
0x43: {  	v6 =	vld [tilespmem:s24+$0xFFFFFFE0];
	[tilespmem:s23+$0x28A0 ss:$0x82] =	vst.msk $0xffff, v3  }
0x44: {  	s27 =	sshra.s32 s25, $0x2;
	s25 =	smov.u32 s26;
	v7 =	vld [tilespmem:s24+$0xFFFFFFF0];
	[tilespmem:s23+$0x30C0 ss:$0x82] =	vst.msk $0xffff, v4  }
.Ltmp3:
0x45: {  	v2 =	vld [tilespmem:s24+$0x0];
	[tilespmem:s23+$0x0 ss:$0x82] =	vst.msk $0xffff, v0;
	s23 =	sadd.s32 s27, s22;
	(pc) =	sbr.rel @p2 .LBB1_4-.Ltmp3, $4  }
0x46: {  	v3 =	vld [tilespmem:s24+$0x10];
	[tilespmem:s23+$0x38E0 ss:$0x82] =	vst.msk $0xffff, v1  }
0x47: {  	[tilespmem:s23+$0x820 ss:$0x82] =	vst.msk $0xffff, v5;
	v4 =	vld [tilespmem:s24+$0x20]  }
0x48: {  	v0 =	vld [tilespmem:s24+$0xFFFFFFC0];
	[tilespmem:s23+$0x1040 ss:$0x82] =	vst.msk $0xffff, v6;
	s24 =	sadd.s32 $0x80, s24  }
0x49: {  	s26 =	sadd.s32 $0x4, s26;
	v1 =	vld [tilespmem:s24+$0x30];
	[tilespmem:s23+$0x1860 ss:$0x82] =	vst.msk $0xffff, v7  }
0x4a: {  	v5 =	vld [tilespmem:s24+$0xFFFFFFD0];
	[tilespmem:s23+$0x2080 ss:$0x82] =	vst.msk $0xffff, v2  }
0x4b: {  	v58 =	vld [tilespmem:s24+$0xFFFFFFE0];
	[tilespmem:s23+$0x28A0 ss:$0x82] =	vst.msk $0xffff, v3  }
0x4c: {  	s25 =	sshra.s32 s25, $0x2;
	v59 =	vld [tilespmem:s24+$0xFFFFFFF0];
	[tilespmem:s23+$0x30C0 ss:$0x82] =	vst.msk $0xffff, v4  }
0x4d: {  	v60 =	vld [tilespmem:s24+$0x0];
	s22 =	sadd.s32 s25, s22;
	[tilespmem:s23+$0x0 ss:$0x82] =	vst.msk $0xffff, v0  }
0x4e: {  	v61 =	vld [tilespmem:s24+$0x10];
	[tilespmem:s22+$0x38E0 ss:$0x82] =	vst.msk $0xffff, v1  }
0x4f: {  	v62 =	vld [tilespmem:s24+$0x20];
	[tilespmem:s22+$0x820 ss:$0x82] =	vst.msk $0xffff, v5  }
0x50: {  	v63 =	vld [tilespmem:s24+$0xFFFFFFC0];
	[tilespmem:s22+$0x1040 ss:$0x82] =	vst.msk $0xffff, v58  }
.Ltmp4:
0x51: {  	[tilespmem:s22+$0x1860 ss:$0x82] =	vst.msk $0xffff, v59;
	(pc) =	sbr.rel @p1 .LBB1_3-.Ltmp4, $4  }
0x52: {  	[tilespmem:s22+$0x2080 ss:$0x82] =	vst.msk $0xffff, v60  }
0x53: {  	[tilespmem:s22+$0x28A0 ss:$0x82] =	vst.msk $0xffff, v61  }
0x54: {  	[tilespmem:s22+$0x30C0 ss:$0x82] =	vst.msk $0xffff, v62  }
0x55: {  	p2 =	por $0x0, $0x0;
	[tilespmem:s22+$0x0 ss:$0x82] =	vst.msk $0xffff, v63;
	s22 =	simm.s32 $0x1  }
0x56: {  	p1 =	sgt.s32 s12, $0x3  }
0x57: {  	s20 =	smov.u32 s12;
	s21 =	sshra.s32 s12, $0x1F;
	s29 =	smul.u32 $0x90000, s12  }
0x58: {  	s22 =	smov.u32 s11;
	s23 =	sshra.s32 s11, $0x1F;
	s30 =	smul.u32 $0x1800, s11  }
0x59: {  	s28 =	sshra.s32 s9, $0x1F;
	p3 =	sgt.s32 s9, $0x1;
	s31 =	smul.u32 $0xC00, s9  }
0x5a: {  	s20 =	simm.s32 @!p1 $0x3;
	s21 =	sand.u32 s21, s12;
	p1 =	sgt.s32 s11, $0x5F  }
0x5b: {  	s26 =	sand.u32 s23, s11;
	s23 =	smov.u32 s9;
	s22 =	simm.s32 @!p1 $0x5F  }
0x5c: {  	s20 =	ssub.s32 s20, s21;
	s23 =	simm.s32 @!p3 $0x1;
	s21 =	ssub.s32 s22, s26  }
0x5d: {  	s27 =	sadd.s32 $0xFFFFFFFD, s20;
	s20 =	ssub.s32 $0x4, s20;
	s22 =	sadd.s32 $0xFFFFFFA1, s21  }
0x5e: {  	s20 =	smul.u32 $0xC000, s20;
	p2 =	sgt.s32 s22, $0x0;
	s22 =	sand.u32 s28, s9  }
0x5f: {  	p1 =	sgt.s32 s27, $0x0;
	s21 =	ssub.s32 $0x60, s21;
	s22 =	sxor.u32 $0xFFFFFFFF, s22  }
0x60: {  	s21 =	simm.s32 @p2 $0x0;
	s20 =	simm.s32 @p1 $0x0;
	s22 =	sadd.s32 s22, s23  }
0x61: {  	s20 =	smul.u32 s21, s20;
	p1 =	sgt.s32 s22, $0x0;
	s22 =	ssub.s32 $0x1, s22  }
.Ltmp5:
0x62: {  	s22 =	simm.s32 @p1 $0x0;
	(pc) =	sbr.rel .LBB1_7-.Ltmp5, $4  }
0x63: {  	s21 =	sadd.s32 s3, s29;
	s20 =	smul.u32 s22, s20  }
0x64: {  	s21 =	sadd.s32 s30, s21  }
0x65: {  	s21 =	sadd.s32 s31, s21;
	s20 =	sshrl.u32 s20, $0x2  }
0x66: {  	[hbm4b:s21+s7] =	stream.strided.scatter [tilespmem:s19], [sflag:$0x2], s20, s8, s7, $0x18;
	[tilespmem:$0x10200] =	vst v63  }
.LBB1_8:
0x67: {  	_ =	sfence.sel $0x180000  }
0x68: {  	s2 =	simm.s32 $0x1;
	[bflag:$0x0] =	sbarrier.arrive $0xFFFF  }
0x69: {  	s31 =	simm.s32 $0x2;
	[sflag:s2] =	ssyncpa.u1 $0x1  }
0x6a: {  	[sflag:s31] =	ssyncpa.u1 $0x1  }
0x6b: {  	p0 =	sne.s32 s1, $0x0;
	_ =	strace $0x90000047  }
0x6c: {  	s0 =	sadd.s32 @!p0 $0x100000, s0;
	[bflag:$0x2] =	sbarrier.arrive $0xFFFF  }
0x6d: {  	[sflag:s0] =	ssyncadd.tile.s32 @!p0 $0x1;
	_ =	shalt  }
.Lfunc_end1:
_tile_overlayer_lowered:
.L_overlay_start_2:
0x6e: {  	(tag) =	ssettag $0x2  }
0x6f: {  	s0 =	rddreg [dreg:$0x0];
	s2 =	stileid.u32  }
0x70: {  	s1 =	rddreg [dreg:$0x1];
	p0 =	sne.s32 s2, $0x0  }
0x71: {  	s3 =	rddreg [dreg:$0x2];
	[bflag:$0x3] =	sbarrier.arrive $0xFFFF;
	s2 =	simm.s32 @!p0 $0x1C01  }
0x72: {  	[timem:s3], [sflag:s2] =	dma.local @!p0 [hbm:s0], s1  }
0x73: {  	s0 =	simm.s32 @!p0 $0x1  }
0x74: {  	_ =	swait.ge @!p0 [sflag:s0], s1  }
0x75: {  	s1 =	ssub.s32 @!p0 $0x0, s1;
	[sflag:s0] =	ssyncset.done @!p0 $0x0  }
0x76: {  	[sflag:s0] =	ssyncadd.s32 @!p0 s1  }
0x77: {  	[bflag:$0x3] =	sbarrier.arrive $0xFFFF  }
0x78: {  	_ =	shalt  }

</sc_bundles>
